<compile_context>
chip_gen: v7x
topology: tpu7x:2x2x1
jax: 0.10.2.dev20260603
libtpu: 0.0.44.dev20260713+nightly
codegen_flags: <defaults>
</compile_context>

<pallas_src>
import jax
import jax.numpy as jnp
from jax import lax
from jax.experimental import pallas as pl
from jax.experimental.pallas import tpu as pltpu
from jax.experimental.pallas import tpu_sc as plsc

C, H, W = 96, 512, 512
N = H * W
NBINS = 256
NC, NS, L = 2, 16, 16
NW = NC * NS
CPW = C // NW
RK = 32
CK = RK * W
NCHUNK = N // CK
NPAIR = NCHUNK // 2
VPC = CK // L
VPR = W // L


def _hist_chunk(xb, h2, lane, ones, vmax):

    def body(i, vmax):
        r = i >> 5
        c = (i & (VPR - 1)) * L
        x = xb[r, pl.ds(c, L)]
        y = x * 256.0
        b = jnp.minimum(y, float(NBINS - 1)).astype(jnp.int32)
        plsc.addupdate_scatter(h2, [(b << 4) + lane], ones)
        return jnp.maximum(vmax, x)

    return plsc.parallel_loop(0, VPC, 1, unroll=8, carry=vmax)(body)


def _apply_chunk(xb, ob, tabA, tabS):

    def body(i):
        r = i >> 5
        c = (i & (VPR - 1)) * L
        x = xb[r, pl.ds(c, L)]
        y = x * 256.0
        b = jnp.minimum(y, float(NBINS - 1)).astype(jnp.int32)
        a = plsc.load_gather(tabA, [b])
        s = plsc.load_gather(tabS, [b])
        ob[r, pl.ds(c, L)] = jnp.minimum(a + y * s, 1.0)

    plsc.parallel_loop(0, VPC, 1, unroll=8)(body)


def _body(in_hbm, out_hbm, xb0, xb1, ob0, ob1, h2, lutb, tabA, tabS,
          isem0, isem1, osem0, osem1):
    wid = lax.axis_index("s") * NC + lax.axis_index("c")
    lane = lax.iota(jnp.int32, L)
    lane_f = lane.astype(jnp.float32)
    lane16 = lane * L
    ones = jnp.full((L,), 1.0, jnp.float32)
    zeros = jnp.zeros((L,), jnp.float32)

    pltpu.async_copy(in_hbm.at[wid * CPW, pl.ds(0, RK), :], xb0, isem0)

    def channel_body(ci, _):
        ch = wid * CPW + ci

        def clear_body(j, _):
            h2[pl.ds(j * L, L)] = zeros
            return 0

        lax.fori_loop(0, L * NBINS // L, clear_body, 0, unroll=8)

        def p1_pair(p, vmax):
            pltpu.async_copy(in_hbm.at[ch, pl.ds((2 * p + 1) * RK, RK), :],
                             xb1, isem1)
            pltpu.make_async_copy(in_hbm.at[ch, pl.ds(0, RK), :], xb0,
                                  isem0).wait()
            vmax = _hist_chunk(xb0, h2, lane, ones, vmax)

            @pl.when(p < NPAIR - 1)
            def _():
                pltpu.async_copy(
                    in_hbm.at[ch, pl.ds((2 * p + 2) * RK, RK), :], xb0, isem0)

            pltpu.make_async_copy(in_hbm.at[ch, pl.ds(0, RK), :], xb1,
                                  isem1).wait()
            vmax = _hist_chunk(xb1, h2, lane, ones, vmax)
            return vmax

        vmax = lax.fori_loop(0, NPAIR, p1_pair, zeros)
        pltpu.async_copy(in_hbm.at[ch, pl.ds(0, RK), :], xb0, isem0)
        chmax = jnp.max(vmax)
        scale = chmax * (1.0 / N)

        def cdf_chunk(j, running):
            base = lane16 + j * (L * L)
            acc = plsc.load_gather(h2, [base])
            for l in range(1, L):
                acc = acc + plsc.load_gather(h2, [base + l])
            cdf = plsc.cumsum(acc) + running
            lutb[pl.ds(j * L, L)] = cdf * scale
            return jnp.max(cdf)

        total = lax.fori_loop(0, NBINS // L, cdf_chunk, jnp.float32(0.0))
        lutb[pl.ds(NBINS, L)] = jnp.full((L,), total * scale, jnp.float32)

        def table_chunk(j, _):
            l0 = lutb[pl.ds(j * L, L)]
            l1 = plsc.load_gather(lutb, [lane + (j * L + 1)])
            d = l1 - l0
            bf = lane_f + (j * L).astype(jnp.float32)
            tabS[pl.ds(j * L, L)] = d
            tabA[pl.ds(j * L, L)] = l0 - bf * d
            return 0

        lax.fori_loop(0, NBINS // L, table_chunk, 0)

        def p2_pair(p, _):
            pltpu.async_copy(in_hbm.at[ch, pl.ds((2 * p + 1) * RK, RK), :],
                             xb1, isem1)
            pltpu.make_async_copy(in_hbm.at[ch, pl.ds(0, RK), :], xb0,
                                  isem0).wait()

            @pl.when(p > 0)
            def _():
                pltpu.make_async_copy(ob0, out_hbm.at[ch, pl.ds(0, RK), :],
                                      osem0).wait()

            _apply_chunk(xb0, ob0, tabA, tabS)
            pltpu.async_copy(ob0, out_hbm.at[ch, pl.ds(2 * p * RK, RK), :],
                             osem0)

            @pl.when(p < NPAIR - 1)
            def _():
                pltpu.async_copy(
                    in_hbm.at[ch, pl.ds(2 * p * RK + 2 * RK, RK), :],
                    xb0, isem0)

            @pl.when(p == NPAIR - 1)
            def _():
                chn = jnp.minimum(ch + 1, C - 1)
                pltpu.async_copy(in_hbm.at[chn, pl.ds(0, RK), :],
                                 xb0, isem0)

            pltpu.make_async_copy(in_hbm.at[ch, pl.ds(0, RK), :], xb1,
                                  isem1).wait()

            @pl.when(p > 0)
            def _():
                pltpu.make_async_copy(ob1, out_hbm.at[ch, pl.ds(0, RK), :],
                                      osem1).wait()

            _apply_chunk(xb1, ob1, tabA, tabS)
            pltpu.async_copy(ob1,
                             out_hbm.at[ch, pl.ds((2 * p + 1) * RK, RK), :],
                             osem1)
            return 0

        lax.fori_loop(0, NPAIR, p2_pair, 0)
        pltpu.make_async_copy(ob0, out_hbm.at[ch, pl.ds(0, RK), :],
                              osem0).wait()
        pltpu.make_async_copy(ob1, out_hbm.at[ch, pl.ds(0, RK), :],
                              osem1).wait()
        return 0

    lax.fori_loop(0, CPW, channel_body, 0)
    pltpu.make_async_copy(in_hbm.at[0, pl.ds(0, RK), :], xb0, isem0).wait()


@jax.jit
def kernel(tensor):
    mesh = plsc.VectorSubcoreMesh(core_axis_name="c", subcore_axis_name="s",
                                  num_cores=NC, num_subcores=NS)
    return pl.kernel(
        _body,
        out_type=jax.ShapeDtypeStruct((C, H, W), jnp.float32),
        mesh=mesh,
        compiler_params=pltpu.CompilerParams(needs_layout_passes=False,
                                             use_tc_tiling_on_sc=True),
        scratch_types=[
            pltpu.VMEM((RK, W), jnp.float32),
            pltpu.VMEM((RK, W), jnp.float32),
            pltpu.VMEM((RK, W), jnp.float32),
            pltpu.VMEM((RK, W), jnp.float32),
            pltpu.VMEM((L * NBINS,), jnp.float32),
            pltpu.VMEM((NBINS + L,), jnp.float32),
            pltpu.VMEM((NBINS,), jnp.float32),
            pltpu.VMEM((NBINS,), jnp.float32),
            pltpu.SemaphoreType.DMA,
            pltpu.SemaphoreType.DMA,
            pltpu.SemaphoreType.DMA,
            pltpu.SemaphoreType.DMA,
        ],
    )(tensor)

# --- scband reference (transcript-rebuilt; emitter-appended) ---
"""Pipeline reference for scband-random-histogram-equalization-13846974562636 (READ-ONLY COPY).

The authoritative reference and input builder live on the scoring server;
editing this copy changes nothing except your own understanding.
"""

import jax, jax.numpy as jnp
import numpy as np

C, H, W = 96, 512, 512
NBINS = 256


def setup_inputs(seed: int = 0) -> dict:
    key = jax.random.key(seed)
    tensor = jax.random.uniform(key, (C, H, W), dtype=jnp.float32)
    return {"tensor": tensor}


def _equalize_channel(ch):
    flat = ch.reshape(-1)
    # bin edges identical to np.histogram(flat, 256, [0, 1])
    edges = jnp.linspace(0.0, 1.0, NBINS + 1)
    # uniform-bin histogram via floor binning (matches np.histogram for values in [0,1))
    idx = jnp.clip(
        jnp.floor(jax.lax.stop_gradient(flat) * NBINS).astype(jnp.int32), 0, NBINS - 1
    )
    hist = jnp.bincount(idx, length=NBINS).astype(jnp.float32)
    cdf = jnp.cumsum(hist)
    cdf_normalized = cdf * jnp.max(flat) / cdf[-1]
    lut = jnp.interp(flat, edges[:-1], cdf_normalized)
    return lut.reshape(ch.shape)


def reference(tensor):
    # p=1.0 -> equalization always applied (deterministic)
    out = jax.vmap(_equalize_channel)(tensor)
    return jnp.clip(out, 0.0, 1.0)

if __name__ == "__main__":
    import jax
    _d = setup_inputs()
    print(jax.jit(kernel)(*tuple(_d.values())))

</pallas_src>

<mosaic_0001>
#map = affine_map<(d0, d1) -> (0, 0, 0)>
module attributes {stable_mosaic.version = 14 : i64} {
  func.func @_body(%arg0: i32, %arg1: i32, %arg2: memref<96x512x512xf32, #tpu.memory_space<hbm>>, %arg3: memref<96x512x512xf32, #tpu.memory_space<hbm>>, %arg4: memref<32x512xf32, #tpu.memory_space<vmem>>, %arg5: memref<32x512xf32, #tpu.memory_space<vmem>>, %arg6: memref<32x512xf32, #tpu.memory_space<vmem>>, %arg7: memref<32x512xf32, #tpu.memory_space<vmem>>, %arg8: memref<4096xf32, #tpu.memory_space<vmem>>, %arg9: memref<272xf32, #tpu.memory_space<vmem>>, %arg10: memref<256xf32, #tpu.memory_space<vmem>>, %arg11: memref<256xf32, #tpu.memory_space<vmem>>, %arg12: memref<!tpu.dma_semaphore, #tpu.memory_space<semaphore_mem>>, %arg13: memref<!tpu.dma_semaphore, #tpu.memory_space<semaphore_mem>>, %arg14: memref<!tpu.dma_semaphore, #tpu.memory_space<semaphore_mem>>, %arg15: memref<!tpu.dma_semaphore, #tpu.memory_space<semaphore_mem>>) attributes {dimension_semantics = [#tpu.dimension_semantics<core_parallel>, #tpu.dimension_semantics<subcore_parallel>], iteration_bounds = array<i64: 2, 16>, scalar_prefetch = 0 : i64, scratch_operands = 12 : i64, tpu.core_type = #tpu.core_type<sc_vector_subcore>, window_params = [{transform_indices = #map}, {transform_indices = #map}]} {
    %mul3A = arith.constant 2 : i32
    %mul3A_0 = arith.muli %arg1, %mul3A : i32
    %add3A = arith.addi %mul3A_0, %arg0 : i32
    %iota3A = tpu.iota {dimensions = array<i32: 0>} : vector<16xi32>
    %convert_element_type3A = arith.sitofp %iota3A : vector<16xi32> to vector<16xf32>
    %mul3A_1 = arith.constant 16 : i32
    %mul3A_2 = vector.broadcast %mul3A_1 : i32 to vector<16xi32>
    %mul3A_3 = arith.muli %iota3A, %mul3A_2 : vector<16xi32>
    %broadcast_in_dim3A = arith.constant 1.000000e+00 : f32
    %broadcast_in_dim3A_4 = vector.broadcast %broadcast_in_dim3A : f32 to vector<16xf32>
    %broadcast_in_dim3A_5 = arith.constant 0.000000e+00 : f32
    %broadcast_in_dim3A_6 = vector.broadcast %broadcast_in_dim3A_5 : f32 to vector<16xf32>
    %mul3A_7 = arith.constant 3 : i32
    %mul3A_8 = arith.muli %add3A, %mul3A_7 : i32
    %dma_start3A = arith.constant 0 : i32
    %dma_start3A_9 = arith.constant 0 : i32
    %dma_start3A_10 = tpu.memref_slice %arg2[%mul3A_8, %dma_start3A, %dma_start3A_9] : memref<96x512x512xf32, #tpu.memory_space<hbm>> -> memref<1x32x512xf32, #tpu.memory_space<hbm>>
    %dma_start3A_11 = tpu.memref_squeeze %dma_start3A_10 : memref<1x32x512xf32, #tpu.memory_space<hbm>> -> memref<32x512xf32, #tpu.memory_space<hbm>>
    %dma_start3A_12 = arith.constant 0 : i32
    %dma_start3A_13 = arith.constant 0 : i32
    %dma_start3A_14 = tpu.memref_slice %arg2[%mul3A_8, %dma_start3A_12, %dma_start3A_13] : memref<96x512x512xf32, #tpu.memory_space<hbm>> -> memref<1x32x512xf32, #tpu.memory_space<hbm>>
    %dma_start3A_15 = tpu.memref_squeeze %dma_start3A_14 : memref<1x32x512xf32, #tpu.memory_space<hbm>> -> memref<32x512xf32, #tpu.memory_space<hbm>>
    tpu.enqueue_dma source(%dma_start3A_15 : memref<32x512xf32, #tpu.memory_space<hbm>>) target(%arg4 : memref<32x512xf32, #tpu.memory_space<vmem>>) target_semaphore(%arg12 : memref<!tpu.dma_semaphore, #tpu.memory_space<semaphore_mem>>)
    %scan3A = arith.constant 0 : i32
    %scan3A_16 = arith.constant 0 : i32
    %scan3A_17 = arith.constant 3 : i32
    %scan3A_18 = arith.addi %scan3A_16, %scan3A_17 : i32
    %scan3A_19 = arith.constant 1 : i32
    %scan3A_20 = scf.for %scan3A_30 = %scan3A_16 to %scan3A_18 step %scan3A_19 iter_args(%scan3A_31 = %scan3A) -> (i32)  : i32 {
      %mul3A_32 = arith.constant 3 : i32
      %mul3A_33 = arith.muli %add3A, %mul3A_32 : i32
      %add3A_34 = arith.addi %mul3A_33, %scan3A_30 : i32
      %scan3A_35 = arith.constant 0 : i32
      %scan3A_36 = arith.constant 0 : i32
      %scan3A_37 = arith.constant 256 : i32
      %scan3A_38 = arith.addi %scan3A_36, %scan3A_37 : i32
      %scan3A_39 = arith.constant 8 : i32
      %scan3A_40 = scf.for %scan3A_102 = %scan3A_36 to %scan3A_38 step %scan3A_39 iter_args(%scan3A_103 = %scan3A_35) -> (i32)  : i32 {
        %mul3A_104 = arith.constant 16 : i32
        %mul3A_105 = arith.muli %scan3A_102, %mul3A_104 : i32
        %swap3A_106 = arith.index_cast %mul3A_105 : i32 to index
        %swap3A_107 = tpu.vector_load %arg8[%swap3A_106] {strides = array<i32>} : memref<4096xf32, #tpu.memory_space<vmem>>, vector<16xf32>,
        tpu.vector_store %arg8[%swap3A_106], %broadcast_in_dim3A_6 {strides = array<i32>} : memref<4096xf32, #tpu.memory_space<vmem>>, vector<16xf32>,
        %scan3A_108 = arith.constant 0 : i32
        %scan3A_109 = arith.constant 1 : i32
        %scan3A_110 = arith.addi %scan3A_102, %scan3A_109 : i32
        %mul3A_111 = arith.constant 16 : i32
        %mul3A_112 = arith.muli %scan3A_110, %mul3A_111 : i32
        %swap3A_113 = arith.index_cast %mul3A_112 : i32 to index
        %swap3A_114 = tpu.vector_load %arg8[%swap3A_113] {strides = array<i32>} : memref<4096xf32, #tpu.memory_space<vmem>>, vector<16xf32>,
        tpu.vector_store %arg8[%swap3A_113], %broadcast_in_dim3A_6 {strides = array<i32>} : memref<4096xf32, #tpu.memory_space<vmem>>, vector<16xf32>,
        %scan3A_115 = arith.constant 0 : i32
        %scan3A_116 = arith.constant 2 : i32
        %scan3A_117 = arith.addi %scan3A_102, %scan3A_116 : i32
        %mul3A_118 = arith.constant 16 : i32
        %mul3A_119 = arith.muli %scan3A_117, %mul3A_118 : i32
        %swap3A_120 = arith.index_cast %mul3A_119 : i32 to index
        %swap3A_121 = tpu.vector_load %arg8[%swap3A_120] {strides = array<i32>} : memref<4096xf32, #tpu.memory_space<vmem>>, vector<16xf32>,
        tpu.vector_store %arg8[%swap3A_120], %broadcast_in_dim3A_6 {strides = array<i32>} : memref<4096xf32, #tpu.memory_space<vmem>>, vector<16xf32>,
        %scan3A_122 = arith.constant 0 : i32
        %scan3A_123 = arith.constant 3 : i32
        %scan3A_124 = arith.addi %scan3A_102, %scan3A_123 : i32
        %mul3A_125 = arith.constant 16 : i32
        %mul3A_126 = arith.muli %scan3A_124, %mul3A_125 : i32
        %swap3A_127 = arith.index_cast %mul3A_126 : i32 to index
        %swap3A_128 = tpu.vector_load %arg8[%swap3A_127] {strides = array<i32>} : memref<4096xf32, #tpu.memory_space<vmem>>, vector<16xf32>,
        tpu.vector_store %arg8[%swap3A_127], %broadcast_in_dim3A_6 {strides = array<i32>} : memref<4096xf32, #tpu.memory_space<vmem>>, vector<16xf32>,
        %scan3A_129 = arith.constant 0 : i32
        %scan3A_130 = arith.constant 4 : i32
        %scan3A_131 = arith.addi %scan3A_102, %scan3A_130 : i32
        %mul3A_132 = arith.constant 16 : i32
        %mul3A_133 = arith.muli %scan3A_131, %mul3A_132 : i32
        %swap3A_134 = arith.index_cast %mul3A_133 : i32 to index
        %swap3A_135 = tpu.vector_load %arg8[%swap3A_134] {strides = array<i32>} : memref<4096xf32, #tpu.memory_space<vmem>>, vector<16xf32>,
        tpu.vector_store %arg8[%swap3A_134], %broadcast_in_dim3A_6 {strides = array<i32>} : memref<4096xf32, #tpu.memory_space<vmem>>, vector<16xf32>,
        %scan3A_136 = arith.constant 0 : i32
        %scan3A_137 = arith.constant 5 : i32
        %scan3A_138 = arith.addi %scan3A_102, %scan3A_137 : i32
        %mul3A_139 = arith.constant 16 : i32
        %mul3A_140 = arith.muli %scan3A_138, %mul3A_139 : i32
        %swap3A_141 = arith.index_cast %mul3A_140 : i32 to index
        %swap3A_142 = tpu.vector_load %arg8[%swap3A_141] {strides = array<i32>} : memref<4096xf32, #tpu.memory_space<vmem>>, vector<16xf32>,
        tpu.vector_store %arg8[%swap3A_141], %broadcast_in_dim3A_6 {strides = array<i32>} : memref<4096xf32, #tpu.memory_space<vmem>>, vector<16xf32>,
        %scan3A_143 = arith.constant 0 : i32
        %scan3A_144 = arith.constant 6 : i32
        %scan3A_145 = arith.addi %scan3A_102, %scan3A_144 : i32
        %mul3A_146 = arith.constant 16 : i32
        %mul3A_147 = arith.muli %scan3A_145, %mul3A_146 : i32
        %swap3A_148 = arith.index_cast %mul3A_147 : i32 to index
        %swap3A_149 = tpu.vector_load %arg8[%swap3A_148] {strides = array<i32>} : memref<4096xf32, #tpu.memory_space<vmem>>, vector<16xf32>,
        tpu.vector_store %arg8[%swap3A_148], %broadcast_in_dim3A_6 {strides = array<i32>} : memref<4096xf32, #tpu.memory_space<vmem>>, vector<16xf32>,
        %scan3A_150 = arith.constant 0 : i32
        %scan3A_151 = arith.constant 7 : i32
        %scan3A_152 = arith.addi %scan3A_102, %scan3A_151 : i32
        %mul3A_153 = arith.constant 16 : i32
        %mul3A_154 = arith.muli %scan3A_152, %mul3A_153 : i32
        %swap3A_155 = arith.index_cast %mul3A_154 : i32 to index
        %swap3A_156 = tpu.vector_load %arg8[%swap3A_155] {strides = array<i32>} : memref<4096xf32, #tpu.memory_space<vmem>>, vector<16xf32>,
        tpu.vector_store %arg8[%swap3A_155], %broadcast_in_dim3A_6 {strides = array<i32>} : memref<4096xf32, #tpu.memory_space<vmem>>, vector<16xf32>,
        %scan3A_157 = arith.constant 0 : i32
        scf.yield %scan3A_157 : i32
      }
      %scan3A_41 = arith.constant 256 : i32
      %scan3A_42 = arith.constant 0 : i32
      %scan3A_43 = arith.constant 8 : i32
      %scan3A_44 = arith.addi %scan3A_42, %scan3A_43 : i32
      %scan3A_45 = arith.constant 1 : i32
      %scan3A_46 = scf.for %scan3A_102 = %scan3A_42 to %scan3A_44 step %scan3A_45 iter_args(%scan3A_103 = %broadcast_in_dim3A_6) -> (vector<16xf32>)  : i32 {
        %mul3A_104 = arith.constant 2 : i32
        %mul3A_105 = arith.muli %mul3A_104, %scan3A_102 : i32
        %add3A_106 = arith.constant 1 : i32
        %add3A_107 = arith.addi %mul3A_105, %add3A_106 : i32
        %mul3A_108 = arith.constant 32 : i32
        %mul3A_109 = arith.muli %add3A_107, %mul3A_108 : i32
        %dma_start3A_110 = arith.constant 0 : i32
        %dma_start3A_111 = tpu.memref_slice %arg2[%add3A_34, %mul3A_109, %dma_start3A_110] : memref<96x512x512xf32, #tpu.memory_space<hbm>> -> memref<1x32x512xf32, #tpu.memory_space<hbm>>
        %dma_start3A_112 = tpu.memref_squeeze %dma_start3A_111 : memref<1x32x512xf32, #tpu.memory_space<hbm>> -> memref<32x512xf32, #tpu.memory_space<hbm>>
        %dma_start3A_113 = arith.constant 0 : i32
        %dma_start3A_114 = tpu.memref_slice %arg2[%add3A_34, %mul3A_109, %dma_start3A_113] : memref<96x512x512xf32, #tpu.memory_space<hbm>> -> memref<1x32x512xf32, #tpu.memory_space<hbm>>
        %dma_start3A_115 = tpu.memref_squeeze %dma_start3A_114 : memref<1x32x512xf32, #tpu.memory_space<hbm>> -> memref<32x512xf32, #tpu.memory_space<hbm>>
        tpu.enqueue_dma source(%dma_start3A_115 : memref<32x512xf32, #tpu.memory_space<hbm>>) target(%arg5 : memref<32x512xf32, #tpu.memory_space<vmem>>) target_semaphore(%arg13 : memref<!tpu.dma_semaphore, #tpu.memory_space<semaphore_mem>>)
        %dma_wait3A_116 = arith.constant 0 : i32
        %dma_wait3A_117 = arith.constant 0 : i32
        %dma_wait3A_118 = tpu.memref_slice %arg2[%add3A_34, %dma_wait3A_116, %dma_wait3A_117] : memref<96x512x512xf32, #tpu.memory_space<hbm>> -> memref<1x32x512xf32, #tpu.memory_space<hbm>>
        %dma_wait3A_119 = tpu.memref_squeeze %dma_wait3A_118 : memref<1x32x512xf32, #tpu.memory_space<hbm>> -> memref<32x512xf32, #tpu.memory_space<hbm>>
        %dma_wait3A_120 = arith.constant 0 : i32
        %dma_wait3A_121 = arith.constant 0 : i32
        %dma_wait3A_122 = tpu.memref_slice %arg2[%add3A_34, %dma_wait3A_120, %dma_wait3A_121] : memref<96x512x512xf32, #tpu.memory_space<hbm>> -> memref<1x32x512xf32, #tpu.memory_space<hbm>>
        %dma_wait3A_123 = tpu.memref_squeeze %dma_wait3A_122 : memref<1x32x512xf32, #tpu.memory_space<hbm>> -> memref<32x512xf32, #tpu.memory_space<hbm>>
        tpu.wait_dma2 semaphore(%arg12 : memref<!tpu.dma_semaphore, #tpu.memory_space<semaphore_mem>>) src(%dma_wait3A_123 : memref<32x512xf32, #tpu.memory_space<hbm>>) dst(%arg4 : memref<32x512xf32, #tpu.memory_space<vmem>>)
        %parallel_loop3A = arith.constant 0 : i32
        %parallel_loop3A_124 = arith.constant 1024 : i32
        %parallel_loop3A_125 = arith.constant 1 : i32
        %parallel_loop3A_126 = scf.for %parallel_loop3A_142 = %parallel_loop3A to %parallel_loop3A_124 step %parallel_loop3A_125 iter_args(%parallel_loop3A_143 = %scan3A_103) -> (vector<16xf32>)  : i32 {
          %parallel_loop3A_144 = arith.constant 5 : i32
          %parallel_loop3A_145 = arith.shrsi %parallel_loop3A_142, %parallel_loop3A_144 : i32
          %parallel_loop3A_146 = arith.constant 31 : i32
          %parallel_loop3A_147 = arith.andi %parallel_loop3A_142, %parallel_loop3A_146 : i32
          %parallel_loop3A_148 = arith.constant 16 : i32
          %parallel_loop3A_149 = arith.muli %parallel_loop3A_147, %parallel_loop3A_148 : i32
          %parallel_loop3A_150 = arith.index_cast %parallel_loop3A_145 : i32 to index
          %parallel_loop3A_151 = arith.index_cast %parallel_loop3A_149 : i32 to index
          %parallel_loop3A_152 = tpu.vector_load %arg4[%parallel_loop3A_150, %parallel_loop3A_151] {strides = array<i32>} : memref<32x512xf32, #tpu.memory_space<vmem>>, vector<16xf32>,
          %parallel_loop3A_153 = arith.constant 2.560000e+02 : f32
          %parallel_loop3A_154 = vector.broadcast %parallel_loop3A_153 : f32 to vector<16xf32>
          %parallel_loop3A_155 = arith.mulf %parallel_loop3A_152, %parallel_loop3A_154 : vector<16xf32>
          %parallel_loop3A_156 = arith.constant 2.550000e+02 : f32
          %parallel_loop3A_157 = vector.broadcast %parallel_loop3A_156 : f32 to vector<16xf32>
          %parallel_loop3A_158 = arith.minimumf %parallel_loop3A_155, %parallel_loop3A_157 : vector<16xf32>
          %parallel_loop3A_159 = arith.fptosi %parallel_loop3A_158 : vector<16xf32> to vector<16xi32>
          %parallel_loop3A_160 = arith.constant 4 : i32
          %parallel_loop3A_161 = vector.broadcast %parallel_loop3A_160 : i32 to vector<16xi32>
          %parallel_loop3A_162 = arith.shli %parallel_loop3A_159, %parallel_loop3A_161 : vector<16xi32>
          %parallel_loop3A_163 = arith.addi %parallel_loop3A_162, %iota3A : vector<16xi32>
          tpu.vector_store_idx %arg8[%parallel_loop3A_163], %broadcast_in_dim3A_4 {add = true} : memref<4096xf32, #tpu.memory_space<vmem>>[vector<16xi32>], vector<16xf32>,
          %parallel_loop3A_164 = arith.maximumf %parallel_loop3A_143, %parallel_loop3A_152 : vector<16xf32>
          scf.yield %parallel_loop3A_164 : vector<16xf32>
        } {sc.loop_unroll_factor = 8 : i64, sc.parallel_access}
        %lt3A = arith.constant 7 : i32
        %lt3A_127 = arith.cmpi slt, %scan3A_102, %lt3A : i32
        %convert_element_type3A_128 = arith.extui %lt3A_127 : i1 to i32
        %cond3A = arith.constant 0 : i32
        %cond3A_129 = arith.cmpi ne, %convert_element_type3A_128, %cond3A : i32
        scf.if %cond3A_129 {
          %mul3A_142 = arith.constant 2 : i32
          %mul3A_143 = arith.muli %mul3A_142, %scan3A_102 : i32
          %add3A_144 = arith.constant 2 : i32
          %add3A_145 = arith.addi %mul3A_143, %add3A_144 : i32
          %mul3A_146 = arith.constant 32 : i32
          %mul3A_147 = arith.muli %add3A_145, %mul3A_146 : i32
          %dma_start3A_148 = arith.constant 0 : i32
          %dma_start3A_149 = tpu.memref_slice %arg2[%add3A_34, %mul3A_147, %dma_start3A_148] : memref<96x512x512xf32, #tpu.memory_space<hbm>> -> memref<1x32x512xf32, #tpu.memory_space<hbm>>
          %dma_start3A_150 = tpu.memref_squeeze %dma_start3A_149 : memref<1x32x512xf32, #tpu.memory_space<hbm>> -> memref<32x512xf32, #tpu.memory_space<hbm>>
          %dma_start3A_151 = arith.constant 0 : i32
          %dma_start3A_152 = tpu.memref_slice %arg2[%add3A_34, %mul3A_147, %dma_start3A_151] : memref<96x512x512xf32, #tpu.memory_space<hbm>> -> memref<1x32x512xf32, #tpu.memory_space<hbm>>
          %dma_start3A_153 = tpu.memref_squeeze %dma_start3A_152 : memref<1x32x512xf32, #tpu.memory_space<hbm>> -> memref<32x512xf32, #tpu.memory_space<hbm>>
          tpu.enqueue_dma source(%dma_start3A_153 : memref<32x512xf32, #tpu.memory_space<hbm>>) target(%arg4 : memref<32x512xf32, #tpu.memory_space<vmem>>) target_semaphore(%arg12 : memref<!tpu.dma_semaphore, #tpu.memory_space<semaphore_mem>>)
        } else {
        }
        %dma_wait3A_130 = arith.constant 0 : i32
        %dma_wait3A_131 = arith.constant 0 : i32
        %dma_wait3A_132 = tpu.memref_slice %arg2[%add3A_34, %dma_wait3A_130, %dma_wait3A_131] : memref<96x512x512xf32, #tpu.memory_space<hbm>> -> memref<1x32x512xf32, #tpu.memory_space<hbm>>
        %dma_wait3A_133 = tpu.memref_squeeze %dma_wait3A_132 : memref<1x32x512xf32, #tpu.memory_space<hbm>> -> memref<32x512xf32, #tpu.memory_space<hbm>>
        %dma_wait3A_134 = arith.constant 0 : i32
        %dma_wait3A_135 = arith.constant 0 : i32
        %dma_wait3A_136 = tpu.memref_slice %arg2[%add3A_34, %dma_wait3A_134, %dma_wait3A_135] : memref<96x512x512xf32, #tpu.memory_space<hbm>> -> memref<1x32x512xf32, #tpu.memory_space<hbm>>
        %dma_wait3A_137 = tpu.memref_squeeze %dma_wait3A_136 : memref<1x32x512xf32, #tpu.memory_space<hbm>> -> memref<32x512xf32, #tpu.memory_space<hbm>>
        tpu.wait_dma2 semaphore(%arg13 : memref<!tpu.dma_semaphore, #tpu.memory_space<semaphore_mem>>) src(%dma_wait3A_137 : memref<32x512xf32, #tpu.memory_space<hbm>>) dst(%arg5 : memref<32x512xf32, #tpu.memory_space<vmem>>)
        %parallel_loop3A_138 = arith.constant 0 : i32
        %parallel_loop3A_139 = arith.constant 1024 : i32
        %parallel_loop3A_140 = arith.constant 1 : i32
        %parallel_loop3A_141 = scf.for %parallel_loop3A_142 = %parallel_loop3A_138 to %parallel_loop3A_139 step %parallel_loop3A_140 iter_args(%parallel_loop3A_143 = %parallel_loop3A_126) -> (vector<16xf32>)  : i32 {
          %parallel_loop3A_144 = arith.constant 5 : i32
          %parallel_loop3A_145 = arith.shrsi %parallel_loop3A_142, %parallel_loop3A_144 : i32
          %parallel_loop3A_146 = arith.constant 31 : i32
          %parallel_loop3A_147 = arith.andi %parallel_loop3A_142, %parallel_loop3A_146 : i32
          %parallel_loop3A_148 = arith.constant 16 : i32
          %parallel_loop3A_149 = arith.muli %parallel_loop3A_147, %parallel_loop3A_148 : i32
          %parallel_loop3A_150 = arith.index_cast %parallel_loop3A_145 : i32 to index
          %parallel_loop3A_151 = arith.index_cast %parallel_loop3A_149 : i32 to index
          %parallel_loop3A_152 = tpu.vector_load %arg5[%parallel_loop3A_150, %parallel_loop3A_151] {strides = array<i32>} : memref<32x512xf32, #tpu.memory_space<vmem>>, vector<16xf32>,
          %parallel_loop3A_153 = arith.constant 2.560000e+02 : f32
          %parallel_loop3A_154 = vector.broadcast %parallel_loop3A_153 : f32 to vector<16xf32>
          %parallel_loop3A_155 = arith.mulf %parallel_loop3A_152, %parallel_loop3A_154 : vector<16xf32>
          %parallel_loop3A_156 = arith.constant 2.550000e+02 : f32
          %parallel_loop3A_157 = vector.broadcast %parallel_loop3A_156 : f32 to vector<16xf32>
          %parallel_loop3A_158 = arith.minimumf %parallel_loop3A_155, %parallel_loop3A_157 : vector<16xf32>
          %parallel_loop3A_159 = arith.fptosi %parallel_loop3A_158 : vector<16xf32> to vector<16xi32>
          %parallel_loop3A_160 = arith.constant 4 : i32
          %parallel_loop3A_161 = vector.broadcast %parallel_loop3A_160 : i32 to vector<16xi32>
          %parallel_loop3A_162 = arith.shli %parallel_loop3A_159, %parallel_loop3A_161 : vector<16xi32>
          %parallel_loop3A_163 = arith.addi %parallel_loop3A_162, %iota3A : vector<16xi32>
          tpu.vector_store_idx %arg8[%parallel_loop3A_163], %broadcast_in_dim3A_4 {add = true} : memref<4096xf32, #tpu.memory_space<vmem>>[vector<16xi32>], vector<16xf32>,
          %parallel_loop3A_164 = arith.maximumf %parallel_loop3A_143, %parallel_loop3A_152 : vector<16xf32>
          scf.yield %parallel_loop3A_164 : vector<16xf32>
        } {sc.loop_unroll_factor = 8 : i64, sc.parallel_access}
        scf.yield %parallel_loop3A_141 : vector<16xf32>
      }
      %scan3A_47 = arith.constant 8 : i32
      %dma_start3A_48 = arith.constant 0 : i32
      %dma_start3A_49 = arith.constant 0 : i32
      %dma_start3A_50 = tpu.memref_slice %arg2[%add3A_34, %dma_start3A_48, %dma_start3A_49] : memref<96x512x512xf32, #tpu.memory_space<hbm>> -> memref<1x32x512xf32, #tpu.memory_space<hbm>>
      %dma_start3A_51 = tpu.memref_squeeze %dma_start3A_50 : memref<1x32x512xf32, #tpu.memory_space<hbm>> -> memref<32x512xf32, #tpu.memory_space<hbm>>
      %dma_start3A_52 = arith.constant 0 : i32
      %dma_start3A_53 = arith.constant 0 : i32
      %dma_start3A_54 = tpu.memref_slice %arg2[%add3A_34, %dma_start3A_52, %dma_start3A_53] : memref<96x512x512xf32, #tpu.memory_space<hbm>> -> memref<1x32x512xf32, #tpu.memory_space<hbm>>
      %dma_start3A_55 = tpu.memref_squeeze %dma_start3A_54 : memref<1x32x512xf32, #tpu.memory_space<hbm>> -> memref<32x512xf32, #tpu.memory_space<hbm>>
      tpu.enqueue_dma source(%dma_start3A_55 : memref<32x512xf32, #tpu.memory_space<hbm>>) target(%arg4 : memref<32x512xf32, #tpu.memory_space<vmem>>) target_semaphore(%arg12 : memref<!tpu.dma_semaphore, #tpu.memory_space<semaphore_mem>>)
      %reduce_max3A = arith.constant true
      %reduce_max3A_56 = vector.broadcast %reduce_max3A : i1 to vector<16xi1>
      %reduce_max3A_57 = tpu.scan <max>, %scan3A_46 masked %reduce_max3A_56 : vector<16xf32>, vector<16xi1> -> vector<16xf32>
      %reduce_max3A_58 = vector.extract %reduce_max3A_57[15] : f32 from vector<16xf32>
      %mul3A_59 = arith.constant 3.81469727E-6 : f32
      %mul3A_60 = arith.mulf %reduce_max3A_58, %mul3A_59 : f32
      %scan3A_61 = arith.constant 0.000000e+00 : f32
      %scan3A_62 = arith.constant 0 : i32
      %scan3A_63 = arith.constant 16 : i32
      %scan3A_64 = arith.addi %scan3A_62, %scan3A_63 : i32
      %scan3A_65 = arith.constant 1 : i32
      %scan3A_66 = scf.for %scan3A_102 = %scan3A_62 to %scan3A_64 step %scan3A_65 iter_args(%scan3A_103 = %scan3A_61) -> (f32)  : i32 {
        %mul3A_104 = arith.constant 256 : i32
        %mul3A_105 = arith.muli %scan3A_102, %mul3A_104 : i32
        %add3A_106 = vector.broadcast %mul3A_105 : i32 to vector<16xi32>
        %add3A_107 = arith.addi %mul3A_3, %add3A_106 : vector<16xi32>
        %gather3A = tpu.vector_load_idx %arg8[%add3A_107] : memref<4096xf32, #tpu.memory_space<vmem>>[vector<16xi32>], vector<16xf32>,
        %add3A_108 = arith.constant 1 : i32
        %add3A_109 = vector.broadcast %add3A_108 : i32 to vector<16xi32>
        %add3A_110 = arith.addi %add3A_107, %add3A_109 : vector<16xi32>
        %gather3A_111 = tpu.vector_load_idx %arg8[%add3A_110] : memref<4096xf32, #tpu.memory_space<vmem>>[vector<16xi32>], vector<16xf32>,
        %add3A_112 = arith.addf %gather3A, %gather3A_111 : vector<16xf32>
        %add3A_113 = arith.constant 2 : i32
        %add3A_114 = vector.broadcast %add3A_113 : i32 to vector<16xi32>
        %add3A_115 = arith.addi %add3A_107, %add3A_114 : vector<16xi32>
        %gather3A_116 = tpu.vector_load_idx %arg8[%add3A_115] : memref<4096xf32, #tpu.memory_space<vmem>>[vector<16xi32>], vector<16xf32>,
        %add3A_117 = arith.addf %add3A_112, %gather3A_116 : vector<16xf32>
        %add3A_118 = arith.constant 3 : i32
        %add3A_119 = vector.broadcast %add3A_118 : i32 to vector<16xi32>
        %add3A_120 = arith.addi %add3A_107, %add3A_119 : vector<16xi32>
        %gather3A_121 = tpu.vector_load_idx %arg8[%add3A_120] : memref<4096xf32, #tpu.memory_space<vmem>>[vector<16xi32>], vector<16xf32>,
        %add3A_122 = arith.addf %add3A_117, %gather3A_121 : vector<16xf32>
        %add3A_123 = arith.constant 4 : i32
        %add3A_124 = vector.broadcast %add3A_123 : i32 to vector<16xi32>
        %add3A_125 = arith.addi %add3A_107, %add3A_124 : vector<16xi32>
        %gather3A_126 = tpu.vector_load_idx %arg8[%add3A_125] : memref<4096xf32, #tpu.memory_space<vmem>>[vector<16xi32>], vector<16xf32>,
        %add3A_127 = arith.addf %add3A_122, %gather3A_126 : vector<16xf32>
        %add3A_128 = arith.constant 5 : i32
        %add3A_129 = vector.broadcast %add3A_128 : i32 to vector<16xi32>
        %add3A_130 = arith.addi %add3A_107, %add3A_129 : vector<16xi32>
        %gather3A_131 = tpu.vector_load_idx %arg8[%add3A_130] : memref<4096xf32, #tpu.memory_space<vmem>>[vector<16xi32>], vector<16xf32>,
        %add3A_132 = arith.addf %add3A_127, %gather3A_131 : vector<16xf32>
        %add3A_133 = arith.constant 6 : i32
        %add3A_134 = vector.broadcast %add3A_133 : i32 to vector<16xi32>
        %add3A_135 = arith.addi %add3A_107, %add3A_134 : vector<16xi32>
        %gather3A_136 = tpu.vector_load_idx %arg8[%add3A_135] : memref<4096xf32, #tpu.memory_space<vmem>>[vector<16xi32>], vector<16xf32>,
        %add3A_137 = arith.addf %add3A_132, %gather3A_136 : vector<16xf32>
        %add3A_138 = arith.constant 7 : i32
        %add3A_139 = vector.broadcast %add3A_138 : i32 to vector<16xi32>
        %add3A_140 = arith.addi %add3A_107, %add3A_139 : vector<16xi32>
        %gather3A_141 = tpu.vector_load_idx %arg8[%add3A_140] : memref<4096xf32, #tpu.memory_space<vmem>>[vector<16xi32>], vector<16xf32>,
        %add3A_142 = arith.addf %add3A_137, %gather3A_141 : vector<16xf32>
        %add3A_143 = arith.constant 8 : i32
        %add3A_144 = vector.broadcast %add3A_143 : i32 to vector<16xi32>
        %add3A_145 = arith.addi %add3A_107, %add3A_144 : vector<16xi32>
        %gather3A_146 = tpu.vector_load_idx %arg8[%add3A_145] : memref<4096xf32, #tpu.memory_space<vmem>>[vector<16xi32>], vector<16xf32>,
        %add3A_147 = arith.addf %add3A_142, %gather3A_146 : vector<16xf32>
        %add3A_148 = arith.constant 9 : i32
        %add3A_149 = vector.broadcast %add3A_148 : i32 to vector<16xi32>
        %add3A_150 = arith.addi %add3A_107, %add3A_149 : vector<16xi32>
        %gather3A_151 = tpu.vector_load_idx %arg8[%add3A_150] : memref<4096xf32, #tpu.memory_space<vmem>>[vector<16xi32>], vector<16xf32>,
        %add3A_152 = arith.addf %add3A_147, %gather3A_151 : vector<16xf32>
        %add3A_153 = arith.constant 10 : i32
        %add3A_154 = vector.broadcast %add3A_153 : i32 to vector<16xi32>
        %add3A_155 = arith.addi %add3A_107, %add3A_154 : vector<16xi32>
        %gather3A_156 = tpu.vector_load_idx %arg8[%add3A_155] : memref<4096xf32, #tpu.memory_space<vmem>>[vector<16xi32>], vector<16xf32>,
        %add3A_157 = arith.addf %add3A_152, %gather3A_156 : vector<16xf32>
        %add3A_158 = arith.constant 11 : i32
        %add3A_159 = vector.broadcast %add3A_158 : i32 to vector<16xi32>
        %add3A_160 = arith.addi %add3A_107, %add3A_159 : vector<16xi32>
        %gather3A_161 = tpu.vector_load_idx %arg8[%add3A_160] : memref<4096xf32, #tpu.memory_space<vmem>>[vector<16xi32>], vector<16xf32>,
        %add3A_162 = arith.addf %add3A_157, %gather3A_161 : vector<16xf32>
        %add3A_163 = arith.constant 12 : i32
        %add3A_164 = vector.broadcast %add3A_163 : i32 to vector<16xi32>
        %add3A_165 = arith.addi %add3A_107, %add3A_164 : vector<16xi32>
        %gather3A_166 = tpu.vector_load_idx %arg8[%add3A_165] : memref<4096xf32, #tpu.memory_space<vmem>>[vector<16xi32>], vector<16xf32>,
        %add3A_167 = arith.addf %add3A_162, %gather3A_166 : vector<16xf32>
        %add3A_168 = arith.constant 13 : i32
        %add3A_169 = vector.broadcast %add3A_168 : i32 to vector<16xi32>
        %add3A_170 = arith.addi %add3A_107, %add3A_169 : vector<16xi32>
        %gather3A_171 = tpu.vector_load_idx %arg8[%add3A_170] : memref<4096xf32, #tpu.memory_space<vmem>>[vector<16xi32>], vector<16xf32>,
        %add3A_172 = arith.addf %add3A_167, %gather3A_171 : vector<16xf32>
        %add3A_173 = arith.constant 14 : i32
        %add3A_174 = vector.broadcast %add3A_173 : i32 to vector<16xi32>
        %add3A_175 = arith.addi %add3A_107, %add3A_174 : vector<16xi32>
        %gather3A_176 = tpu.vector_load_idx %arg8[%add3A_175] : memref<4096xf32, #tpu.memory_space<vmem>>[vector<16xi32>], vector<16xf32>,
        %add3A_177 = arith.addf %add3A_172, %gather3A_176 : vector<16xf32>
        %add3A_178 = arith.constant 15 : i32
        %add3A_179 = vector.broadcast %add3A_178 : i32 to vector<16xi32>
        %add3A_180 = arith.addi %add3A_107, %add3A_179 : vector<16xi32>
        %gather3A_181 = tpu.vector_load_idx %arg8[%add3A_180] : memref<4096xf32, #tpu.memory_space<vmem>>[vector<16xi32>], vector<16xf32>,
        %add3A_182 = arith.addf %add3A_177, %gather3A_181 : vector<16xf32>
        %broadcast_in_dim3A_183 = arith.constant true
        %broadcast_in_dim3A_184 = vector.broadcast %broadcast_in_dim3A_183 : i1 to vector<16xi1>
        %masked_cumsum3A = tpu.scan <sum>, %add3A_182 masked %broadcast_in_dim3A_184 : vector<16xf32>, vector<16xi1> -> vector<16xf32>
        %add3A_185 = vector.broadcast %scan3A_103 : f32 to vector<16xf32>
        %add3A_186 = arith.addf %masked_cumsum3A, %add3A_185 : vector<16xf32>
        %mul3A_187 = vector.broadcast %mul3A_60 : f32 to vector<16xf32>
        %mul3A_188 = arith.mulf %add3A_186, %mul3A_187 : vector<16xf32>
        %mul3A_189 = arith.constant 16 : i32
        %mul3A_190 = arith.muli %scan3A_102, %mul3A_189 : i32
        %swap3A_191 = arith.index_cast %mul3A_190 : i32 to index
        %swap3A_192 = tpu.vector_load %arg9[%swap3A_191] {strides = array<i32>} : memref<272xf32, #tpu.memory_space<vmem>>, vector<16xf32>,
        tpu.vector_store %arg9[%swap3A_191], %mul3A_188 {strides = array<i32>} : memref<272xf32, #tpu.memory_space<vmem>>, vector<16xf32>,
        %reduce_max3A_193 = arith.constant true
        %reduce_max3A_194 = vector.broadcast %reduce_max3A_193 : i1 to vector<16xi1>
        %reduce_max3A_195 = tpu.scan <max>, %add3A_186 masked %reduce_max3A_194 : vector<16xf32>, vector<16xi1> -> vector<16xf32>
        %reduce_max3A_196 = vector.extract %reduce_max3A_195[15] : f32 from vector<16xf32>
        scf.yield %reduce_max3A_196 : f32
      }
      %scan3A_67 = arith.constant 16 : i32
      %mul3A_68 = arith.mulf %scan3A_66, %mul3A_60 : f32
      %broadcast_in_dim3A_69 = vector.broadcast %mul3A_68 : f32 to vector<16xf32>
      %swap3A = arith.constant 256 : index
      %swap3A_70 = tpu.vector_load %arg9[%swap3A] {strides = array<i32>} : memref<272xf32, #tpu.memory_space<vmem>>, vector<16xf32>,
      tpu.vector_store %arg9[%swap3A], %broadcast_in_dim3A_69 {strides = array<i32>} : memref<272xf32, #tpu.memory_space<vmem>>, vector<16xf32>,
      %scan3A_71 = arith.constant 0 : i32
      %scan3A_72 = arith.constant 0 : i32
      %scan3A_73 = arith.constant 16 : i32
      %scan3A_74 = arith.addi %scan3A_72, %scan3A_73 : i32
      %scan3A_75 = arith.constant 1 : i32
      %scan3A_76 = scf.for %scan3A_102 = %scan3A_72 to %scan3A_74 step %scan3A_75 iter_args(%scan3A_103 = %scan3A_71) -> (i32)  : i32 {
        %mul3A_104 = arith.constant 16 : i32
        %mul3A_105 = arith.muli %scan3A_102, %mul3A_104 : i32
        %get3A = arith.index_cast %mul3A_105 : i32 to index
        %get3A_106 = tpu.vector_load %arg9[%get3A] {strides = array<i32>} : memref<272xf32, #tpu.memory_space<vmem>>, vector<16xf32>,
        %mul3A_107 = arith.constant 16 : i32
        %mul3A_108 = arith.muli %scan3A_102, %mul3A_107 : i32
        %add3A_109 = arith.constant 1 : i32
        %add3A_110 = arith.addi %mul3A_108, %add3A_109 : i32
        %add3A_111 = vector.broadcast %add3A_110 : i32 to vector<16xi32>
        %add3A_112 = arith.addi %iota3A, %add3A_111 : vector<16xi32>
        %gather3A = tpu.vector_load_idx %arg9[%add3A_112] : memref<272xf32, #tpu.memory_space<vmem>>[vector<16xi32>], vector<16xf32>,
        %sub3A = arith.subf %gather3A, %get3A_106 : vector<16xf32>
        %mul3A_113 = arith.constant 16 : i32
        %mul3A_114 = arith.muli %scan3A_102, %mul3A_113 : i32
        %convert_element_type3A_115 = arith.sitofp %mul3A_114 : i32 to f32
        %add3A_116 = vector.broadcast %convert_element_type3A_115 : f32 to vector<16xf32>
        %add3A_117 = arith.addf %convert_element_type3A, %add3A_116 : vector<16xf32>
        %mul3A_118 = arith.constant 16 : i32
        %mul3A_119 = arith.muli %scan3A_102, %mul3A_118 : i32
        %swap3A_120 = arith.index_cast %mul3A_119 : i32 to index
        %swap3A_121 = tpu.vector_load %arg11[%swap3A_120] {strides = array<i32>} : memref<256xf32, #tpu.memory_space<vmem>>, vector<16xf32>,
        tpu.vector_store %arg11[%swap3A_120], %sub3A {strides = array<i32>} : memref<256xf32, #tpu.memory_space<vmem>>, vector<16xf32>,
        %mul3A_122 = arith.mulf %add3A_117, %sub3A : vector<16xf32>
        %sub3A_123 = arith.subf %get3A_106, %mul3A_122 : vector<16xf32>
        %mul3A_124 = arith.constant 16 : i32
        %mul3A_125 = arith.muli %scan3A_102, %mul3A_124 : i32
        %swap3A_126 = arith.index_cast %mul3A_125 : i32 to index
        %swap3A_127 = tpu.vector_load %arg10[%swap3A_126] {strides = array<i32>} : memref<256xf32, #tpu.memory_space<vmem>>, vector<16xf32>,
        tpu.vector_store %arg10[%swap3A_126], %sub3A_123 {strides = array<i32>} : memref<256xf32, #tpu.memory_space<vmem>>, vector<16xf32>,
        %scan3A_128 = arith.constant 0 : i32
        scf.yield %scan3A_128 : i32
      }
      %scan3A_77 = arith.constant 16 : i32
      %scan3A_78 = arith.constant 0 : i32
      %scan3A_79 = arith.constant 0 : i32
      %scan3A_80 = arith.constant 8 : i32
      %scan3A_81 = arith.addi %scan3A_79, %scan3A_80 : i32
      %scan3A_82 = arith.constant 1 : i32
      %scan3A_83 = scf.for %scan3A_102 = %scan3A_79 to %scan3A_81 step %scan3A_82 iter_args(%scan3A_103 = %scan3A_78) -> (i32)  : i32 {
        %mul3A_104 = arith.constant 2 : i32
        %mul3A_105 = arith.muli %mul3A_104, %scan3A_102 : i32
        %add3A_106 = arith.constant 1 : i32
        %add3A_107 = arith.addi %mul3A_105, %add3A_106 : i32
        %mul3A_108 = arith.constant 32 : i32
        %mul3A_109 = arith.muli %add3A_107, %mul3A_108 : i32
        %dma_start3A_110 = arith.constant 0 : i32
        %dma_start3A_111 = tpu.memref_slice %arg2[%add3A_34, %mul3A_109, %dma_start3A_110] : memref<96x512x512xf32, #tpu.memory_space<hbm>> -> memref<1x32x512xf32, #tpu.memory_space<hbm>>
        %dma_start3A_112 = tpu.memref_squeeze %dma_start3A_111 : memref<1x32x512xf32, #tpu.memory_space<hbm>> -> memref<32x512xf32, #tpu.memory_space<hbm>>
        %dma_start3A_113 = arith.constant 0 : i32
        %dma_start3A_114 = tpu.memref_slice %arg2[%add3A_34, %mul3A_109, %dma_start3A_113] : memref<96x512x512xf32, #tpu.memory_space<hbm>> -> memref<1x32x512xf32, #tpu.memory_space<hbm>>
        %dma_start3A_115 = tpu.memref_squeeze %dma_start3A_114 : memref<1x32x512xf32, #tpu.memory_space<hbm>> -> memref<32x512xf32, #tpu.memory_space<hbm>>
        tpu.enqueue_dma source(%dma_start3A_115 : memref<32x512xf32, #tpu.memory_space<hbm>>) target(%arg5 : memref<32x512xf32, #tpu.memory_space<vmem>>) target_semaphore(%arg13 : memref<!tpu.dma_semaphore, #tpu.memory_space<semaphore_mem>>)
        %dma_wait3A_116 = arith.constant 0 : i32
        %dma_wait3A_117 = arith.constant 0 : i32
        %dma_wait3A_118 = tpu.memref_slice %arg2[%add3A_34, %dma_wait3A_116, %dma_wait3A_117] : memref<96x512x512xf32, #tpu.memory_space<hbm>> -> memref<1x32x512xf32, #tpu.memory_space<hbm>>
        %dma_wait3A_119 = tpu.memref_squeeze %dma_wait3A_118 : memref<1x32x512xf32, #tpu.memory_space<hbm>> -> memref<32x512xf32, #tpu.memory_space<hbm>>
        %dma_wait3A_120 = arith.constant 0 : i32
        %dma_wait3A_121 = arith.constant 0 : i32
        %dma_wait3A_122 = tpu.memref_slice %arg2[%add3A_34, %dma_wait3A_120, %dma_wait3A_121] : memref<96x512x512xf32, #tpu.memory_space<hbm>> -> memref<1x32x512xf32, #tpu.memory_space<hbm>>
        %dma_wait3A_123 = tpu.memref_squeeze %dma_wait3A_122 : memref<1x32x512xf32, #tpu.memory_space<hbm>> -> memref<32x512xf32, #tpu.memory_space<hbm>>
        tpu.wait_dma2 semaphore(%arg12 : memref<!tpu.dma_semaphore, #tpu.memory_space<semaphore_mem>>) src(%dma_wait3A_123 : memref<32x512xf32, #tpu.memory_space<hbm>>) dst(%arg4 : memref<32x512xf32, #tpu.memory_space<vmem>>)
        %gt3A = arith.constant 0 : i32
        %gt3A_124 = arith.cmpi sgt, %scan3A_102, %gt3A : i32
        %convert_element_type3A_125 = arith.extui %gt3A_124 : i1 to i32
        %cond3A = arith.constant 0 : i32
        %cond3A_126 = arith.cmpi ne, %convert_element_type3A_125, %cond3A : i32
        scf.if %cond3A_126 {
          %dma_wait3A_176 = arith.constant 0 : i32
          %dma_wait3A_177 = arith.constant 0 : i32
          %dma_wait3A_178 = tpu.memref_slice %arg3[%add3A_34, %dma_wait3A_176, %dma_wait3A_177] : memref<96x512x512xf32, #tpu.memory_space<hbm>> -> memref<1x32x512xf32, #tpu.memory_space<hbm>>
          %dma_wait3A_179 = tpu.memref_squeeze %dma_wait3A_178 : memref<1x32x512xf32, #tpu.memory_space<hbm>> -> memref<32x512xf32, #tpu.memory_space<hbm>>
          %dma_wait3A_180 = arith.constant 0 : i32
          %dma_wait3A_181 = arith.constant 0 : i32
          %dma_wait3A_182 = tpu.memref_slice %arg3[%add3A_34, %dma_wait3A_180, %dma_wait3A_181] : memref<96x512x512xf32, #tpu.memory_space<hbm>> -> memref<1x32x512xf32, #tpu.memory_space<hbm>>
          %dma_wait3A_183 = tpu.memref_squeeze %dma_wait3A_182 : memref<1x32x512xf32, #tpu.memory_space<hbm>> -> memref<32x512xf32, #tpu.memory_space<hbm>>
          tpu.wait_dma2 semaphore(%arg14 : memref<!tpu.dma_semaphore, #tpu.memory_space<semaphore_mem>>) src(%arg6 : memref<32x512xf32, #tpu.memory_space<vmem>>) dst(%dma_wait3A_183 : memref<32x512xf32, #tpu.memory_space<hbm>>)
        } else {
        }
        %parallel_loop3A = arith.constant 0 : i32
        %parallel_loop3A_127 = arith.constant 1024 : i32
        %parallel_loop3A_128 = arith.constant 1 : i32
        scf.for %parallel_loop3A_176 = %parallel_loop3A to %parallel_loop3A_127 step %parallel_loop3A_128  : i32 {
          %parallel_loop3A_177 = arith.constant 5 : i32
          %parallel_loop3A_178 = arith.shrsi %parallel_loop3A_176, %parallel_loop3A_177 : i32
          %parallel_loop3A_179 = arith.constant 31 : i32
          %parallel_loop3A_180 = arith.andi %parallel_loop3A_176, %parallel_loop3A_179 : i32
          %parallel_loop3A_181 = arith.constant 16 : i32
          %parallel_loop3A_182 = arith.muli %parallel_loop3A_180, %parallel_loop3A_181 : i32
          %parallel_loop3A_183 = arith.index_cast %parallel_loop3A_178 : i32 to index
          %parallel_loop3A_184 = arith.index_cast %parallel_loop3A_182 : i32 to index
          %parallel_loop3A_185 = tpu.vector_load %arg4[%parallel_loop3A_183, %parallel_loop3A_184] {strides = array<i32>} : memref<32x512xf32, #tpu.memory_space<vmem>>, vector<16xf32>,
          %parallel_loop3A_186 = arith.constant 2.560000e+02 : f32
          %parallel_loop3A_187 = vector.broadcast %parallel_loop3A_186 : f32 to vector<16xf32>
          %parallel_loop3A_188 = arith.mulf %parallel_loop3A_185, %parallel_loop3A_187 : vector<16xf32>
          %parallel_loop3A_189 = arith.constant 2.550000e+02 : f32
          %parallel_loop3A_190 = vector.broadcast %parallel_loop3A_189 : f32 to vector<16xf32>
          %parallel_loop3A_191 = arith.minimumf %parallel_loop3A_188, %parallel_loop3A_190 : vector<16xf32>
          %parallel_loop3A_192 = arith.fptosi %parallel_loop3A_191 : vector<16xf32> to vector<16xi32>
          %parallel_loop3A_193 = tpu.vector_load_idx %arg10[%parallel_loop3A_192] : memref<256xf32, #tpu.memory_space<vmem>>[vector<16xi32>], vector<16xf32>,
          %parallel_loop3A_194 = tpu.vector_load_idx %arg11[%parallel_loop3A_192] : memref<256xf32, #tpu.memory_space<vmem>>[vector<16xi32>], vector<16xf32>,
          %parallel_loop3A_195 = arith.mulf %parallel_loop3A_188, %parallel_loop3A_194 : vector<16xf32>
          %parallel_loop3A_196 = arith.addf %parallel_loop3A_193, %parallel_loop3A_195 : vector<16xf32>
          %parallel_loop3A_197 = arith.constant 1.000000e+00 : f32
          %parallel_loop3A_198 = vector.broadcast %parallel_loop3A_197 : f32 to vector<16xf32>
          %parallel_loop3A_199 = arith.minimumf %parallel_loop3A_196, %parallel_loop3A_198 : vector<16xf32>
          %parallel_loop3A_200 = arith.index_cast %parallel_loop3A_178 : i32 to index
          %parallel_loop3A_201 = arith.index_cast %parallel_loop3A_182 : i32 to index
          %parallel_loop3A_202 = tpu.vector_load %arg6[%parallel_loop3A_200, %parallel_loop3A_201] {strides = array<i32>} : memref<32x512xf32, #tpu.memory_space<vmem>>, vector<16xf32>,
          tpu.vector_store %arg6[%parallel_loop3A_200, %parallel_loop3A_201], %parallel_loop3A_199 {strides = array<i32>} : memref<32x512xf32, #tpu.memory_space<vmem>>, vector<16xf32>,
        } {sc.loop_unroll_factor = 8 : i64, sc.parallel_access}
        %mul3A_129 = arith.constant 2 : i32
        %mul3A_130 = arith.muli %mul3A_129, %scan3A_102 : i32
        %mul3A_131 = arith.constant 32 : i32
        %mul3A_132 = arith.muli %mul3A_130, %mul3A_131 : i32
        %dma_start3A_133 = arith.constant 0 : i32
        %dma_start3A_134 = tpu.memref_slice %arg3[%add3A_34, %mul3A_132, %dma_start3A_133] : memref<96x512x512xf32, #tpu.memory_space<hbm>> -> memref<1x32x512xf32, #tpu.memory_space<hbm>>
        %dma_start3A_135 = tpu.memref_squeeze %dma_start3A_134 : memref<1x32x512xf32, #tpu.memory_space<hbm>> -> memref<32x512xf32, #tpu.memory_space<hbm>>
        %dma_start3A_136 = arith.constant 0 : i32
        %dma_start3A_137 = tpu.memref_slice %arg3[%add3A_34, %mul3A_132, %dma_start3A_136] : memref<96x512x512xf32, #tpu.memory_space<hbm>> -> memref<1x32x512xf32, #tpu.memory_space<hbm>>
        %dma_start3A_138 = tpu.memref_squeeze %dma_start3A_137 : memref<1x32x512xf32, #tpu.memory_space<hbm>> -> memref<32x512xf32, #tpu.memory_space<hbm>>
        tpu.enqueue_dma source(%arg6 : memref<32x512xf32, #tpu.memory_space<vmem>>) target(%dma_start3A_138 : memref<32x512xf32, #tpu.memory_space<hbm>>) target_semaphore(%arg14 : memref<!tpu.dma_semaphore, #tpu.memory_space<semaphore_mem>>)
        %lt3A = arith.constant 7 : i32
        %lt3A_139 = arith.cmpi slt, %scan3A_102, %lt3A : i32
        %convert_element_type3A_140 = arith.extui %lt3A_139 : i1 to i32
        %cond3A_141 = arith.constant 0 : i32
        %cond3A_142 = arith.cmpi ne, %convert_element_type3A_140, %cond3A_141 : i32
        scf.if %cond3A_142 {
          %mul3A_176 = arith.constant 2 : i32
          %mul3A_177 = arith.muli %mul3A_176, %scan3A_102 : i32
          %mul3A_178 = arith.constant 32 : i32
          %mul3A_179 = arith.muli %mul3A_177, %mul3A_178 : i32
          %add3A_180 = arith.constant 64 : i32
          %add3A_181 = arith.addi %mul3A_179, %add3A_180 : i32
          %dma_start3A_182 = arith.constant 0 : i32
          %dma_start3A_183 = tpu.memref_slice %arg2[%add3A_34, %add3A_181, %dma_start3A_182] : memref<96x512x512xf32, #tpu.memory_space<hbm>> -> memref<1x32x512xf32, #tpu.memory_space<hbm>>
          %dma_start3A_184 = tpu.memref_squeeze %dma_start3A_183 : memref<1x32x512xf32, #tpu.memory_space<hbm>> -> memref<32x512xf32, #tpu.memory_space<hbm>>
          %dma_start3A_185 = arith.constant 0 : i32
          %dma_start3A_186 = tpu.memref_slice %arg2[%add3A_34, %add3A_181, %dma_start3A_185] : memref<96x512x512xf32, #tpu.memory_space<hbm>> -> memref<1x32x512xf32, #tpu.memory_space<hbm>>
          %dma_start3A_187 = tpu.memref_squeeze %dma_start3A_186 : memref<1x32x512xf32, #tpu.memory_space<hbm>> -> memref<32x512xf32, #tpu.memory_space<hbm>>
          tpu.enqueue_dma source(%dma_start3A_187 : memref<32x512xf32, #tpu.memory_space<hbm>>) target(%arg4 : memref<32x512xf32, #tpu.memory_space<vmem>>) target_semaphore(%arg12 : memref<!tpu.dma_semaphore, #tpu.memory_space<semaphore_mem>>)
        } else {
        }
        %eq3A = arith.constant 7 : i32
        %eq3A_143 = arith.cmpi eq, %scan3A_102, %eq3A : i32
        %convert_element_type3A_144 = arith.extui %eq3A_143 : i1 to i32
        %cond3A_145 = arith.constant 0 : i32
        %cond3A_146 = arith.cmpi ne, %convert_element_type3A_144, %cond3A_145 : i32
        scf.if %cond3A_146 {
          %add3A_176 = arith.constant 1 : i32
          %add3A_177 = arith.addi %add3A_34, %add3A_176 : i32
          %min3A = arith.constant 95 : i32
          %min3A_178 = arith.minsi %add3A_177, %min3A : i32
          %dma_start3A_179 = arith.constant 0 : i32
          %dma_start3A_180 = arith.constant 0 : i32
          %dma_start3A_181 = tpu.memref_slice %arg2[%min3A_178, %dma_start3A_179, %dma_start3A_180] : memref<96x512x512xf32, #tpu.memory_space<hbm>> -> memref<1x32x512xf32, #tpu.memory_space<hbm>>
          %dma_start3A_182 = tpu.memref_squeeze %dma_start3A_181 : memref<1x32x512xf32, #tpu.memory_space<hbm>> -> memref<32x512xf32, #tpu.memory_space<hbm>>
          %dma_start3A_183 = arith.constant 0 : i32
          %dma_start3A_184 = arith.constant 0 : i32
          %dma_start3A_185 = tpu.memref_slice %arg2[%min3A_178, %dma_start3A_183, %dma_start3A_184] : memref<96x512x512xf32, #tpu.memory_space<hbm>> -> memref<1x32x512xf32, #tpu.memory_space<hbm>>
          %dma_start3A_186 = tpu.memref_squeeze %dma_start3A_185 : memref<1x32x512xf32, #tpu.memory_space<hbm>> -> memref<32x512xf32, #tpu.memory_space<hbm>>
          tpu.enqueue_dma source(%dma_start3A_186 : memref<32x512xf32, #tpu.memory_space<hbm>>) target(%arg4 : memref<32x512xf32, #tpu.memory_space<vmem>>) target_semaphore(%arg12 : memref<!tpu.dma_semaphore, #tpu.memory_space<semaphore_mem>>)
        } else {
        }
        %dma_wait3A_147 = arith.constant 0 : i32
        %dma_wait3A_148 = arith.constant 0 : i32
        %dma_wait3A_149 = tpu.memref_slice %arg2[%add3A_34, %dma_wait3A_147, %dma_wait3A_148] : memref<96x512x512xf32, #tpu.memory_space<hbm>> -> memref<1x32x512xf32, #tpu.memory_space<hbm>>
        %dma_wait3A_150 = tpu.memref_squeeze %dma_wait3A_149 : memref<1x32x512xf32, #tpu.memory_space<hbm>> -> memref<32x512xf32, #tpu.memory_space<hbm>>
        %dma_wait3A_151 = arith.constant 0 : i32
        %dma_wait3A_152 = arith.constant 0 : i32
        %dma_wait3A_153 = tpu.memref_slice %arg2[%add3A_34, %dma_wait3A_151, %dma_wait3A_152] : memref<96x512x512xf32, #tpu.memory_space<hbm>> -> memref<1x32x512xf32, #tpu.memory_space<hbm>>
        %dma_wait3A_154 = tpu.memref_squeeze %dma_wait3A_153 : memref<1x32x512xf32, #tpu.memory_space<hbm>> -> memref<32x512xf32, #tpu.memory_space<hbm>>
        tpu.wait_dma2 semaphore(%arg13 : memref<!tpu.dma_semaphore, #tpu.memory_space<semaphore_mem>>) src(%dma_wait3A_154 : memref<32x512xf32, #tpu.memory_space<hbm>>) dst(%arg5 : memref<32x512xf32, #tpu.memory_space<vmem>>)
        %gt3A_155 = arith.constant 0 : i32
        %gt3A_156 = arith.cmpi sgt, %scan3A_102, %gt3A_155 : i32
        %convert_element_type3A_157 = arith.extui %gt3A_156 : i1 to i32
        %cond3A_158 = arith.constant 0 : i32
        %cond3A_159 = arith.cmpi ne, %convert_element_type3A_157, %cond3A_158 : i32
        scf.if %cond3A_159 {
          %dma_wait3A_176 = arith.constant 0 : i32
          %dma_wait3A_177 = arith.constant 0 : i32
          %dma_wait3A_178 = tpu.memref_slice %arg3[%add3A_34, %dma_wait3A_176, %dma_wait3A_177] : memref<96x512x512xf32, #tpu.memory_space<hbm>> -> memref<1x32x512xf32, #tpu.memory_space<hbm>>
          %dma_wait3A_179 = tpu.memref_squeeze %dma_wait3A_178 : memref<1x32x512xf32, #tpu.memory_space<hbm>> -> memref<32x512xf32, #tpu.memory_space<hbm>>
          %dma_wait3A_180 = arith.constant 0 : i32
          %dma_wait3A_181 = arith.constant 0 : i32
          %dma_wait3A_182 = tpu.memref_slice %arg3[%add3A_34, %dma_wait3A_180, %dma_wait3A_181] : memref<96x512x512xf32, #tpu.memory_space<hbm>> -> memref<1x32x512xf32, #tpu.memory_space<hbm>>
          %dma_wait3A_183 = tpu.memref_squeeze %dma_wait3A_182 : memref<1x32x512xf32, #tpu.memory_space<hbm>> -> memref<32x512xf32, #tpu.memory_space<hbm>>
          tpu.wait_dma2 semaphore(%arg15 : memref<!tpu.dma_semaphore, #tpu.memory_space<semaphore_mem>>) src(%arg7 : memref<32x512xf32, #tpu.memory_space<vmem>>) dst(%dma_wait3A_183 : memref<32x512xf32, #tpu.memory_space<hbm>>)
        } else {
        }
        %parallel_loop3A_160 = arith.constant 0 : i32
        %parallel_loop3A_161 = arith.constant 1024 : i32
        %parallel_loop3A_162 = arith.constant 1 : i32
        scf.for %parallel_loop3A_176 = %parallel_loop3A_160 to %parallel_loop3A_161 step %parallel_loop3A_162  : i32 {
          %parallel_loop3A_177 = arith.constant 5 : i32
          %parallel_loop3A_178 = arith.shrsi %parallel_loop3A_176, %parallel_loop3A_177 : i32
          %parallel_loop3A_179 = arith.constant 31 : i32
          %parallel_loop3A_180 = arith.andi %parallel_loop3A_176, %parallel_loop3A_179 : i32
          %parallel_loop3A_181 = arith.constant 16 : i32
          %parallel_loop3A_182 = arith.muli %parallel_loop3A_180, %parallel_loop3A_181 : i32
          %parallel_loop3A_183 = arith.index_cast %parallel_loop3A_178 : i32 to index
          %parallel_loop3A_184 = arith.index_cast %parallel_loop3A_182 : i32 to index
          %parallel_loop3A_185 = tpu.vector_load %arg5[%parallel_loop3A_183, %parallel_loop3A_184] {strides = array<i32>} : memref<32x512xf32, #tpu.memory_space<vmem>>, vector<16xf32>,
          %parallel_loop3A_186 = arith.constant 2.560000e+02 : f32
          %parallel_loop3A_187 = vector.broadcast %parallel_loop3A_186 : f32 to vector<16xf32>
          %parallel_loop3A_188 = arith.mulf %parallel_loop3A_185, %parallel_loop3A_187 : vector<16xf32>
          %parallel_loop3A_189 = arith.constant 2.550000e+02 : f32
          %parallel_loop3A_190 = vector.broadcast %parallel_loop3A_189 : f32 to vector<16xf32>
          %parallel_loop3A_191 = arith.minimumf %parallel_loop3A_188, %parallel_loop3A_190 : vector<16xf32>
          %parallel_loop3A_192 = arith.fptosi %parallel_loop3A_191 : vector<16xf32> to vector<16xi32>
          %parallel_loop3A_193 = tpu.vector_load_idx %arg10[%parallel_loop3A_192] : memref<256xf32, #tpu.memory_space<vmem>>[vector<16xi32>], vector<16xf32>,
          %parallel_loop3A_194 = tpu.vector_load_idx %arg11[%parallel_loop3A_192] : memref<256xf32, #tpu.memory_space<vmem>>[vector<16xi32>], vector<16xf32>,
          %parallel_loop3A_195 = arith.mulf %parallel_loop3A_188, %parallel_loop3A_194 : vector<16xf32>
          %parallel_loop3A_196 = arith.addf %parallel_loop3A_193, %parallel_loop3A_195 : vector<16xf32>
          %parallel_loop3A_197 = arith.constant 1.000000e+00 : f32
          %parallel_loop3A_198 = vector.broadcast %parallel_loop3A_197 : f32 to vector<16xf32>
          %parallel_loop3A_199 = arith.minimumf %parallel_loop3A_196, %parallel_loop3A_198 : vector<16xf32>
          %parallel_loop3A_200 = arith.index_cast %parallel_loop3A_178 : i32 to index
          %parallel_loop3A_201 = arith.index_cast %parallel_loop3A_182 : i32 to index
          %parallel_loop3A_202 = tpu.vector_load %arg7[%parallel_loop3A_200, %parallel_loop3A_201] {strides = array<i32>} : memref<32x512xf32, #tpu.memory_space<vmem>>, vector<16xf32>,
          tpu.vector_store %arg7[%parallel_loop3A_200, %parallel_loop3A_201], %parallel_loop3A_199 {strides = array<i32>} : memref<32x512xf32, #tpu.memory_space<vmem>>, vector<16xf32>,
        } {sc.loop_unroll_factor = 8 : i64, sc.parallel_access}
        %mul3A_163 = arith.constant 2 : i32
        %mul3A_164 = arith.muli %mul3A_163, %scan3A_102 : i32
        %add3A_165 = arith.constant 1 : i32
        %add3A_166 = arith.addi %mul3A_164, %add3A_165 : i32
        %mul3A_167 = arith.constant 32 : i32
        %mul3A_168 = arith.muli %add3A_166, %mul3A_167 : i32
        %dma_start3A_169 = arith.constant 0 : i32
        %dma_start3A_170 = tpu.memref_slice %arg3[%add3A_34, %mul3A_168, %dma_start3A_169] : memref<96x512x512xf32, #tpu.memory_space<hbm>> -> memref<1x32x512xf32, #tpu.memory_space<hbm>>
        %dma_start3A_171 = tpu.memref_squeeze %dma_start3A_170 : memref<1x32x512xf32, #tpu.memory_space<hbm>> -> memref<32x512xf32, #tpu.memory_space<hbm>>
        %dma_start3A_172 = arith.constant 0 : i32
        %dma_start3A_173 = tpu.memref_slice %arg3[%add3A_34, %mul3A_168, %dma_start3A_172] : memref<96x512x512xf32, #tpu.memory_space<hbm>> -> memref<1x32x512xf32, #tpu.memory_space<hbm>>
        %dma_start3A_174 = tpu.memref_squeeze %dma_start3A_173 : memref<1x32x512xf32, #tpu.memory_space<hbm>> -> memref<32x512xf32, #tpu.memory_space<hbm>>
        tpu.enqueue_dma source(%arg7 : memref<32x512xf32, #tpu.memory_space<vmem>>) target(%dma_start3A_174 : memref<32x512xf32, #tpu.memory_space<hbm>>) target_semaphore(%arg15 : memref<!tpu.dma_semaphore, #tpu.memory_space<semaphore_mem>>)
        %scan3A_175 = arith.constant 0 : i32
        scf.yield %scan3A_175 : i32
      }
      %scan3A_84 = arith.constant 8 : i32
      %dma_wait3A_85 = arith.constant 0 : i32
      %dma_wait3A_86 = arith.constant 0 : i32
      %dma_wait3A_87 = tpu.memref_slice %arg3[%add3A_34, %dma_wait3A_85, %dma_wait3A_86] : memref<96x512x512xf32, #tpu.memory_space<hbm>> -> memref<1x32x512xf32, #tpu.memory_space<hbm>>
      %dma_wait3A_88 = tpu.memref_squeeze %dma_wait3A_87 : memref<1x32x512xf32, #tpu.memory_space<hbm>> -> memref<32x512xf32, #tpu.memory_space<hbm>>
      %dma_wait3A_89 = arith.constant 0 : i32
      %dma_wait3A_90 = arith.constant 0 : i32
      %dma_wait3A_91 = tpu.memref_slice %arg3[%add3A_34, %dma_wait3A_89, %dma_wait3A_90] : memref<96x512x512xf32, #tpu.memory_space<hbm>> -> memref<1x32x512xf32, #tpu.memory_space<hbm>>
      %dma_wait3A_92 = tpu.memref_squeeze %dma_wait3A_91 : memref<1x32x512xf32, #tpu.memory_space<hbm>> -> memref<32x512xf32, #tpu.memory_space<hbm>>
      tpu.wait_dma2 semaphore(%arg14 : memref<!tpu.dma_semaphore, #tpu.memory_space<semaphore_mem>>) src(%arg6 : memref<32x512xf32, #tpu.memory_space<vmem>>) dst(%dma_wait3A_92 : memref<32x512xf32, #tpu.memory_space<hbm>>)
      %dma_wait3A_93 = arith.constant 0 : i32
      %dma_wait3A_94 = arith.constant 0 : i32
      %dma_wait3A_95 = tpu.memref_slice %arg3[%add3A_34, %dma_wait3A_93, %dma_wait3A_94] : memref<96x512x512xf32, #tpu.memory_space<hbm>> -> memref<1x32x512xf32, #tpu.memory_space<hbm>>
      %dma_wait3A_96 = tpu.memref_squeeze %dma_wait3A_95 : memref<1x32x512xf32, #tpu.memory_space<hbm>> -> memref<32x512xf32, #tpu.memory_space<hbm>>
      %dma_wait3A_97 = arith.constant 0 : i32
      %dma_wait3A_98 = arith.constant 0 : i32
      %dma_wait3A_99 = tpu.memref_slice %arg3[%add3A_34, %dma_wait3A_97, %dma_wait3A_98] : memref<96x512x512xf32, #tpu.memory_space<hbm>> -> memref<1x32x512xf32, #tpu.memory_space<hbm>>
      %dma_wait3A_100 = tpu.memref_squeeze %dma_wait3A_99 : memref<1x32x512xf32, #tpu.memory_space<hbm>> -> memref<32x512xf32, #tpu.memory_space<hbm>>
      tpu.wait_dma2 semaphore(%arg15 : memref<!tpu.dma_semaphore, #tpu.memory_space<semaphore_mem>>) src(%arg7 : memref<32x512xf32, #tpu.memory_space<vmem>>) dst(%dma_wait3A_100 : memref<32x512xf32, #tpu.memory_space<hbm>>)
      %scan3A_101 = arith.constant 0 : i32
      scf.yield %scan3A_101 : i32
    }
    %scan3A_21 = arith.constant 3 : i32
    %dma_wait3A = arith.constant 0 : i32
    %dma_wait3A_22 = arith.constant 0 : i32
    %dma_wait3A_23 = arith.constant 0 : i32
    %dma_wait3A_24 = tpu.memref_slice %arg2[%dma_wait3A, %dma_wait3A_22, %dma_wait3A_23] : memref<96x512x512xf32, #tpu.memory_space<hbm>> -> memref<1x32x512xf32, #tpu.memory_space<hbm>>
    %dma_wait3A_25 = tpu.memref_squeeze %dma_wait3A_24 : memref<1x32x512xf32, #tpu.memory_space<hbm>> -> memref<32x512xf32, #tpu.memory_space<hbm>>
    %dma_wait3A_26 = arith.constant 0 : i32
    %dma_wait3A_27 = arith.constant 0 : i32
    %dma_wait3A_28 = tpu.memref_slice %arg2[%dma_wait3A, %dma_wait3A_26, %dma_wait3A_27] : memref<96x512x512xf32, #tpu.memory_space<hbm>> -> memref<1x32x512xf32, #tpu.memory_space<hbm>>
    %dma_wait3A_29 = tpu.memref_squeeze %dma_wait3A_28 : memref<1x32x512xf32, #tpu.memory_space<hbm>> -> memref<32x512xf32, #tpu.memory_space<hbm>>
    tpu.wait_dma2 semaphore(%arg12 : memref<!tpu.dma_semaphore, #tpu.memory_space<semaphore_mem>>) src(%dma_wait3A_29 : memref<32x512xf32, #tpu.memory_space<hbm>>) dst(%arg4 : memref<32x512xf32, #tpu.memory_space<vmem>>)
    return
  }
}

</mosaic_0001>

<sc_bundles>
// kernel: kernel.3.cloned.1.call-start
scs
__scs_entry_jumppad:
0x0: {  	(pc) =	sbr.rel $0x88, $3  }
0x1: {  	(tag) =	ssettag $0x0;
	lr =	simm.s32 $0x1  }
0x2: {  	[smem:$0x3FA0] =	sst lr;
	_ =	strace $0xD0000000  }
0x3: {  	_ = 	snop  }
0x4: {  	_ = 	snop  }
0x5: {  	_ = 	snop  }
0x6: {  	_ = 	snop  }
0x7: {  	_ = 	snop  }
__scs_overlays_trampoline_lowered:
0x8: {  	[smem:$0x3FAF] =	sst s0  }
0x9: {  	[smem:$0x3FB0] =	sst s1  }
0xa: {  	[smem:$0x3FB1] =	sst s2  }
0xb: {  	[smem:$0x3FB2] =	sst s3  }
0xc: {  	[smem:$0x3FB3] =	sst s4  }
0xd: {  	[smem:$0x3FB4] =	sst s5  }
0xe: {  	[smem:$0x3FB5] =	sst s6  }
0xf: {  	[smem:$0x3FB6] =	sst s7  }
0x10: {  	[smem:$0x3FB7] =	sst s8  }
0x11: {  	[smem:$0x3FB8] =	sst s9;
	s0 =	simm.s32 @!p0 $0x0  }
0x12: {  	s1 =	sld [smem:$0x3F9E];
	s0 =	simm.s32 @p0 $0x1  }
0x13: {  	[smem:$0x3FB9] =	sst s0;
	s0 =	simm.s32 @!p1 $0x0  }
0x14: {  	s2 =	sld [smem:$0x3F9D];
	s0 =	simm.s32 @p1 $0x1  }
0x15: {  	[smem:$0x3FBA] =	sst s0;
	s0 =	simm.s32 @!p2 $0x0  }
0x16: {  	s3 =	sld [smem:$0x3FDB];
	s0 =	simm.s32 @p2 $0x1  }
0x17: {  	s4 =	simm.s32 $0x1BF5;
	[smem:$0x3FBC] =	sst s0  }
0x18: {  	s0 =	sld [smem:$0x3F9F];
	_ =	swait.ge [sflag:s4], $0x0  }
0x19: {  	s7 =	sld [smem:$0x3FA0]  }
0x1a: {  	s8 =	sadd.s32 $0xFFFFE003, lr  }
0x1b: {  	s9 =	sadd.s32 $0xFFFFFEF7, lr;
	s5 =	simm.s32 $0xFFFFFFFF;
	p2 =	slt.u32 s8, $0xFFFFF086  }
0x1c: {  	p1 =	slt.u32 s9, $0xF7A;
	s5 =	simm.s32 @!p2 $0x0  }
0x1d: {  	s5 =	simm.s32 @p1 $0x1;
	p0 =	seq.s32 s7, s2  }
0x1e: {  	s7 =	smul.u32 @!p0 $0xF7A, s2;
	p2 =	seq.s32 @!p0 s5, $0x0  }
0x1f: {  	s9 =	smul.u32 $0xF7A, s1;
	s8 =	simm.s32 @!p0 $0x1BF5;
	p2 =	por !p2, p0  }
0x20: {  	[sflag:s8] =	ssyncset.s32 @!p0 $0xFFFFF086;
	s6 =	sadd.s32 @!p0 s3, s7;
	s7 =	simm.s32 @!p0 $0x108  }
0x21: {  	s3 =	sadd.s32 s3, s9;
	s6 =	sadd.s32 @!p0 $0x88, s6;
	s7 =	simm.s32 @p2 $0x1082  }
0x22: {  	[simem:s7], [sflag:s8] =	dma.local @!p0 [hbm:s6], $0xF7A  }
0x23: {  	s9 =	sor.u32 $0xD0000000, s2;
	s6 =	simm.s32 $0x108;
	_ =	swait.ge @!p0 [sflag:s8], $0x0  }
0x24: {  	s3 =	sadd.s32 $0x88, s3;
	s6 =	simm.s32 @!p1 $0x1082;
	[sflag:s4] =	ssyncset.s32 $0xFFFFF086  }
0x25: {  	[simem:s6], [sflag:s4] =	dma.local [hbm:s3], $0xF7A  }
0x26: {  	[smem:$0x3FA0] =	sst s1;
	(tag) =	ssettag s2;
	_ =	strace s9  }
0x27: {  	s1 =	sld [smem:$0x3FB0]  }
0x28: {  	s2 =	sld [smem:$0x3FB1]  }
0x29: {  	s4 =	sld [smem:$0x3FB3]  }
0x2a: {  	p0 =	seq.s32 s5, $0x0;
	s5 =	sld [smem:$0x3FB4]  }
0x2b: {  	s6 =	sld [smem:$0x3FB5]  }
0x2c: {  	s7 =	sld [smem:$0x3FB6]  }
0x2d: {  	s3 =	simm.s32 $0x108;
	s8 =	sld [smem:$0x3FB7]  }
0x2e: {  	s3 =	simm.s32 @!p0 $0x1082;
	s9 =	sld [smem:$0x3FB8]  }
0x2f: {  	lr =	sadd.s32 s0, s3;
	s0 =	sld [smem:$0x3FAF]  }
0x30: {  	s3 =	sld [smem:$0x3FB2]  }
0x31: {  	[smem:$0x3FBB] =	sst s10  }
0x32: {  	s10 =	sld [smem:$0x3FB9];
	_ =	sdelay $0x3  }
0x33: {  	p0 =	seq.s32 s10, $0x1;
	s10 =	sld [smem:$0x3FBB];
	_ =	sdelay $0x3  }
0x34: {  	[smem:$0x3FBB] =	sst s10  }
0x35: {  	s10 =	sld [smem:$0x3FBA];
	_ =	sdelay $0x3  }
0x36: {  	p1 =	seq.s32 s10, $0x1;
	s10 =	sld [smem:$0x3FBB];
	_ =	sdelay $0x3  }
0x37: {  	[smem:$0x3FBB] =	sst s10  }
0x38: {  	s10 =	sld [smem:$0x3FBC]  }
0x39: {  	_ = 	snop;
	(pc) =	sbr.ind lr, $3  }
0x3a: {  	_ = 	snop  }
0x3b: {  	_ = 	snop  }
0x3c: {  	p2 =	seq.s32 s10, $0x1;
	s10 =	sld [smem:$0x3FBB]  }
0x3d: {  	_ =	shalt  }
0x3e: {  	_ =	shalt  }
0x3f: {  	_ =	shalt  }
0x40: {  	_ =	shalt  }
0x41: {  	_ =	shalt  }
0x42: {  	_ =	shalt  }
0x43: {  	_ =	shalt  }
0x44: {  	_ =	shalt  }
0x45: {  	_ =	shalt  }
0x46: {  	_ =	shalt  }
0x47: {  	_ =	shalt  }
0x48: {  	_ =	shalt  }
0x49: {  	_ =	shalt  }
0x4a: {  	_ =	shalt  }
0x4b: {  	_ =	shalt  }
0x4c: {  	_ =	shalt  }
0x4d: {  	_ =	shalt  }
0x4e: {  	_ =	shalt  }
0x4f: {  	_ =	shalt  }
0x50: {  	_ =	shalt  }
0x51: {  	_ =	shalt  }
0x52: {  	_ =	shalt  }
0x53: {  	_ =	shalt  }
0x54: {  	_ =	shalt  }
0x55: {  	_ =	shalt  }
0x56: {  	_ =	shalt  }
0x57: {  	_ =	shalt  }
0x58: {  	_ =	shalt  }
0x59: {  	_ =	shalt  }
0x5a: {  	_ =	shalt  }
0x5b: {  	_ =	shalt  }
0x5c: {  	_ =	shalt  }
0x5d: {  	_ =	shalt  }
0x5e: {  	_ =	shalt  }
0x5f: {  	_ =	shalt  }
0x60: {  	_ =	shalt  }
0x61: {  	_ =	shalt  }
0x62: {  	_ =	shalt  }
0x63: {  	_ =	shalt  }
0x64: {  	_ =	shalt  }
0x65: {  	_ =	shalt  }
0x66: {  	_ =	shalt  }
0x67: {  	_ =	shalt  }
0x68: {  	_ =	shalt  }
0x69: {  	_ =	shalt  }
0x6a: {  	_ =	shalt  }
0x6b: {  	_ =	shalt  }
0x6c: {  	_ =	shalt  }
0x6d: {  	_ =	shalt  }
0x6e: {  	_ =	shalt  }
0x6f: {  	_ =	shalt  }
0x70: {  	_ =	shalt  }
0x71: {  	_ =	shalt  }
0x72: {  	_ =	shalt  }
0x73: {  	_ =	shalt  }
0x74: {  	_ =	shalt  }
0x75: {  	_ =	shalt  }
0x76: {  	_ =	shalt  }
0x77: {  	_ =	shalt  }
0x78: {  	_ =	shalt  }
0x79: {  	_ =	shalt  }
0x7a: {  	_ =	shalt  }
0x7b: {  	_ =	shalt  }
0x7c: {  	_ =	shalt  }
0x7d: {  	_ =	shalt  }
0x7e: {  	_ =	shalt  }
0x7f: {  	_ =	shalt  }
0x80: {  	_ =	shalt  }
0x81: {  	_ =	shalt  }
0x82: {  	_ =	shalt  }
0x83: {  	_ =	shalt  }
0x84: {  	_ =	shalt  }
0x85: {  	_ =	shalt  }
0x86: {  	_ =	shalt  }
0x87: {  	_ =	shalt  }
.Lfunc_end0:
.L_simem_size_0:
called_computation_lowered:
.L_overlay_start_0:
0x88: {  	s2 =	sld [smem:$0x3FD9]  }
0x89: {  	s3 =	sld [smem:$0x3FFE];
	_ =	sdelay $0x1  }
0x8a: {  	s1 =	srdreg.scid  }
0x8b: {  	s0 =	sand.u32 $0x1, s1  }
0x8c: {  	s18 =	sshll.u32 s0, $0xA;
	s2 =	sadd.s32 s3, s2  }
0x8d: {  	s2 =	sadd.s32 s2, s18  }
0x8e: {  	[smem:$0x3FC7] =	sst s2  }
0x8f: {  	_ = 	snop  }
0x90: {  	s2 =	sld [smem:$0x3FC9]  }
0x91: {  	s19 =	sld [smem:$0x3FD0];
	(tm) =	ssettm $0x1  }
0x92: {  	s4 =	sld [smem:$0x3FFB];
	_ =	sdelay $0x3  }
0x93: {  	_ =	strace s4  }
0x94: {  	s4 =	sld [smem:$0x3FFC];
	_ =	sdelay $0x3  }
0x95: {  	_ =	strace s4  }
0x96: {  	s4 =	sld [smem:$0x3FFD];
	_ =	sdelay $0x3  }
0x97: {  	_ =	strace s4  }
0x98: {  	_ =	strace $0x8FFFFFFF  }
0x99: {  	s20 =	sld [smem:$0x3FDB];
	_ =	sdelay $0x1  }
0x9a: {  	s5 =	simm.s32 $_scs_section_size  }
0x9b: {  	s6 =	simm.s32 $_size__tile_overlayer_lowered;
	s7 =	simm.s32 $_tile_overlayer_lowered  }
0x9c: {  	s23 =	simm.s32 $0x1BFF;
	s22 =	sshll.u32 s7, $0x1;
	s4 =	sadd.s32 s5, s20  }
0x9d: {  	s8 =	simm.s32 $0x0;
	s21 =	sshll.u32 s6, $0x1;
	s6 =	sadd.s32 s22, s4  }
0x9e: {  	[timem:s8], [sflag:s23] =	dma.local [hbm:s6], s21  }
0x9f: {  	_ =	swait.ge [sflag:s23], s21  }
0xa0: {  	s5 =	ssub.s32 $0x0, s21;
	[sflag:s23] =	ssyncset.done $0x0  }
0xa1: {  	[sflag:s23] =	ssyncadd.s32 s5;
	_ =	sdelay $0x1  }
0xa2: {  	s24 =	simm.s32 $0x1B8B  }
0xa3: {  	_ =	swait.ge [sflag:s24], $0x1  }
0xa4: {  	[sflag:s24] =	ssyncset.done $0x0  }
0xa5: {  	s25 =	simm.s32 $0x1B8E;
	[sflag:s24] =	ssyncadd.s32 $0xFFFFFFFF  }
0xa6: {  	s26 =	simm.s32 $execute0_lowered;
	[smem:$0x3FD2] =	sst s25  }
0xa7: {  	s5 =	sshll.u32 s26, $0x1;
	_ =	strace $0x80000046;
	[dreg:$0x1] =	wrdreg $0xFFFFFFFF  }
0xa8: {  	s28 =	simm.s32 $_size_execute0_lowered;
	s4 =	sadd.s32 s4, s5;
	[dreg:$0x0] =	wrdreg $0x0  }
0xa9: {  	s5 =	sshll.u32 s28, $0x1;
	[dreg:$0x2] =	wrdreg s4  }
0xaa: {  	[dreg:$0x3] =	wrdreg s5  }
0xab: {  	[dreg:$0x4] =	wrdreg $0xC0  }
0xac: {  	_ =	task [dreg:s8], $0x5FFFF  }
0xad: {  	[dreg:$0x1] =	wrdreg $0xFFFFFFFF  }
0xae: {  	[dreg:$0x0] =	wrdreg $0x60  }
0xaf: {  	[dreg:$0x2] =	wrdreg s2  }
0xb0: {  	[dreg:$0x3] =	wrdreg s19  }
0xb1: {  	[dreg:$0x4] =	wrdreg $0x9  }
0xb2: {  	_ =	task.clear_ibuf [dreg:s8], $0x5FFFF;
	_ =	strace $0x90000046  }
0xb3: {  	s29 =	simm.s32 $0x9;
	_ =	strace $0x80000048  }
0xb4: {  	_ =	swait.ge [sflag:s29], $0x1  }
0xb5: {  	[sflag:s29] =	ssyncadd.s32 $0xFFFFFFFF  }
0xb6: {  	_ =	strace $0x90000048  }
0xb7: {  	_ =	sfence  }
0xb8: {  	s30 =	sld [smem:$0x0];
	_ =	sdelay $0x2  }
0xb9: {  	s31 =	sshll.u32 s1, $0xD;
	s1 =	sshrl.u32 s1, $0x2  }
0xba: {  	s3 =	sand.u32 $0x4000, s31;
	s1 =	sadd.s32 s1, s30  }
0xbb: {  	s0 =	sor.u32 s3, s0;
	s1 =	sshll.u32 s1, $0x11  }
0xbc: {  	s0 =	sor.u32 s1, s0  }
0xbd: {  	s0 =	sadd.s32 $0x8F2B, s0  }
0xbe: {  	[sflag:s0] =	ssyncadd.remote.s32 $0x1  }
0xbf: {  	_ =	sfence.sel $0xFFFF  }
0xc0: {  	[dreg:$0x0] =	wrdreg $0xFFFFFFFF;
	(pc) =	sbr.abs _section_cstart, $3  }
0xc1: {  	[dreg:$0x1] =	wrdreg $0xFFFFFFFF  }
0xc2: {  	_ =	task.clear_ibuf [dreg:s8], $0x2FFFF;
	_ =	strace $0x9FFFFFFF  }
0xc3: {  	(tm) =	ssettm $0x7FFFFFFF  }
tec
execute0_lowered:
.L_overlay_start_1:
0x0: {  	(tag) =	ssettag $0x1  }
0x1: {  	v0 =	vlaneseq.u32;
	v1 =	vimm.f32 $0.0e+00  }
0x2: {  	v2 =	vimm.f32 $1.000000000e+00;
	v5 =	vimm.f32 $1.500000000e+01;
	vm0 =	vcmask $0x300  }
0x3: {  	vm14 =	vcmask $0x704;
	vm15 =	vcmask $0xB08;
	vm4 =	vcmask $0xF0C  }
0x4: {  	vm5 =	vcmask $0x1310;
	vm6 =	vcmask $0x1714;
	v6 =	vsel vm0, $0x0, v5  }
0x5: {  	vm7 =	vcmask $0x1B18;
	vm8 =	vcmask $0x1F1C;
	v7 =	vsel vm14, $0x3F800000, v6  }
0x6: {  	vm9 =	vcmask $0x2320;
	vm10 =	vcmask $0x2724;
	v8 =	vsel vm15, $0x40000000, v7  }
0x7: {  	s0 =	rddreg [dreg:$0x0];
	vm11 =	vcmask $0x2B28;
	vm12 =	vcmask $0x2F2C;
	v9 =	vsel vm4, $0x40400000, v8  }
0x8: {  	s1 =	rddreg [dreg:$0x1];
	s2 =	srdreg.scid;
	vm13 =	vcmask $0x3330;
	v3 =	vand.u32 $0x7, v0;
	v10 =	vsel vm5, $0x40800000, v9  }
0x9: {  	s3 =	stileid.u32;
	s4 =	simm.s32 $0x0;
	s9 =	simm.s32 $0x4000;
	v4 =	vmul.u32 $0x10, v3;
	v3 =	vmul.u32 $0x10, v0;
	v11 =	vsel vm6, $0x40A00000, v10  }
0xa: {  	s10 =	simm.s32 $0x1;
	s11 =	simm.s32 $0x10000;
	s12 =	simm.s32 $0x2;
	vm14 =	vcmask $0x3734;
	vm15 =	vcmask $0x3B38;
	v12 =	vsel vm7, $0x40C00000, v11  }
0xb: {  	s13 =	simm.s32 $0x11000;
	s2 =	sand.u32 $0x1, s2;
	s3 =	sshll.u32 s3, $0x1;
	v4 =	vor.u32 $0xFFFFFF80, v4;
	v5 =	vor.u32 $0x1, v3;
	v13 =	vsel vm8, $0x40E00000, v12  }
0xc: {  	s14 =	simm.s32 $0x11180;
	s5 =	ssub.s32 $0x2, s2;
	s2 =	sor.u32 s2, s3;
	v6 =	vor.u32 $0x2, v3;
	v7 =	vor.u32 $0x3, v3;
	v14 =	vsel vm9, $0x41000000, v13  }
0xd: {  	s15 =	simm.s32 $0x11280;
	s16 =	simm.s32 $0x8000;
	s6 =	smul.u32 $0x18000, s2;
	v8 =	vor.u32 $0x4, v3;
	v19 =	vor.u32 $0xF, v3;
	v15 =	vsel vm10, $0x41100000, v14  }
0xe: {  	s17 =	simm.s32 $0x4;
	[smem:$0x7FF] =	sst s4;
	s2 =	smul.u32 $0x3, s2;
	v9 =	vor.u32 $0x5, v3;
	v10 =	vor.u32 $0x6, v3;
	v16 =	vsel vm11, $0x41200000, v15  }
0xf: {  	s18 =	simm.s32 $0xC000;
	_ =	strace $0x80000047;
	s29 =	sshrl.u32 s5, $0x1;
	v11 =	vor.u32 $0x7, v3;
	v12 =	vor.u32 $0x8, v3;
	v17 =	vsel vm12, $0x41300000, v16  }
0x10: {  	s3 =	ssub.s32 s5, s29;
	[dreg:$0x3] =	wrdreg s2;
	s30 =	sadd.s32 s0, s6;
	v13 =	vor.u32 $0x9, v3;
	v14 =	vor.u32 $0xA, v3;
	v18 =	vsel vm13, $0x41400000, v17  }
0x11: {  	s19 =	simm.s32 $0x3;
	s31 =	smax.u32 s3, $0x1;
	[dreg:$0x4] =	wrdreg s30;
	v15 =	vor.u32 $0xB, v3;
	v16 =	vor.u32 $0xC, v3;
	v20 =	vsel vm14, $0x41500000, v18  }
0x12: {  	s7 =	sadd.s32 $0x8000, s0;
	s3 =	simm.s32 $0x0;
	[dreg:$0x5] =	wrdreg s31;
	v17 =	vor.u32 $0xD, v3;
	v18 =	vor.u32 $0xE, v3;
	v20 =	vsel vm15, $0x41600000, v20  }
.LBB2_1:
0x13: {  	[dreg:$0x6] =	wrdreg s3  }
0x14: {  	s2 =	rddreg [dreg:$0x4];
	s21 =	simm.s32 $0x0  }
0x15: {  	[tilespmem:s4], [sflag:$0x1] =	stream.linear.gather [hbm4b:s2+s4], $0x4000, $0x38;
	[tilespmem:$0x11380] =	vst v63  }
.LBB2_2:
0x16: {  	s2 =	simm.s32 $0x10040  }
0x17: {  	[tilespmem:s2+$0xFFFFFFC0] =	vst v1  }
0x18: {  	[tilespmem:s2+$0x30] =	vst v1  }
0x19: {  	[tilespmem:s2+$0x20] =	vst v1  }
0x1a: {  	[tilespmem:s2+$0x10] =	vst v1  }
0x1b: {  	[tilespmem:s2+$0x0] =	vst v1  }
0x1c: {  	[tilespmem:s2+$0xFFFFFFF0] =	vst v1  }
0x1d: {  	s3 =	simm.s32 $0x0;
	[tilespmem:s2+$0xFFFFFFE0] =	vst v1  }
.LBB2_3:
0x1e: {  	s3 =	sadd.s32 $0x8, s3;
	[tilespmem:s2+$0xFFFFFFD0] =	vst v1;
	s2 =	sadd.s32 $0x80, s2  }
0x1f: {  	[tilespmem:s2+$0xFFFFFFC0] =	vst v1;
	p0 =	slt.u32 s3, $0xF8  }
0x20: {  	[tilespmem:s2+$0x30] =	vst v1  }
.Ltmp0:
0x21: {  	[tilespmem:s2+$0x20] =	vst v1;
	(pc) =	sbr.rel @p0 .LBB2_3-.Ltmp0, $4  }
0x22: {  	[tilespmem:s2+$0x10] =	vst v1  }
0x23: {  	[tilespmem:s2+$0x0] =	vst v1  }
0x24: {  	[tilespmem:s2+$0xFFFFFFF0] =	vst v1  }
0x25: {  	[tilespmem:s2+$0xFFFFFFE0] =	vst v1  }
0x26: {  	s31 =	rddreg [dreg:$0x3]  }
0x27: {  	s24 =	sadd.s32 s31, s21  }
0x28: {  	s22 =	sshll.u32 s24, $0x12  }
0x29: {  	[tilespmem:s2+$0xFFFFFFD0] =	vst v1;
	s25 =	simm.s32 $0x0;
	v21 =	vimm.f32 $0.0e+00;
	s26 =	simm.s32 $0x0;
	s23 =	sor.u32 $0x8000, s22  }
.LBB2_5:
0x2a: {  	s28 =	sshll.u32 s26, $0xF  }
0x2b: {  	s2 =	sor.u32 s28, s22  }
0x2c: {  	s2 =	sshrl.u32 s2, $0x3  }
0x2d: {  	s2 =	sadd.s32 s2, s0  }
0x2e: {  	s6 =	simm.s32 $0x0;
	s3 =	sand.u32 $0xC00, s25;
	s2 =	sadd.s32 $0x800, s2  }
0x2f: {  	[tilespmem:s9], [sflag:$0x2] =	stream.linear.gather [hbm4b:s2+s25], $0x4000, $0x38;
	[tilespmem:$0x11380] =	vst v63  }
0x30: {  	s2 =	sand.u32 $0x3000, s6;
	s6 =	simm.s32 $0x0;
	_ =	swait.ge [sflag:s10], $0x4000  }
0x31: {  	s6 =	sand.u32 $0x380, s6;
	s2 =	sor.u32 s3, s2;
	[sflag:s10] =	ssyncset.done $0x0  }
0x32: {  	s2 =	sor.u32 s6, s2;
	[sflag:s10] =	ssyncadd.s32 $0xFFFFC000  }
0x33: {  	v22 =	vld [tilespmem:s2+$0x0]  }
0x34: {  	v23 =	vld [tilespmem:s2+$0x10]  }
0x35: {  	v30 =	vld [tilespmem:s2+$0x70]  }
0x36: {  	v24 =	vld [tilespmem:s2+$0x20]  }
0x37: {  	v25 =	vld [tilespmem:s2+$0x30]  }
0x38: {  	v26 =	vld [tilespmem:s2+$0x40]  }
0x39: {  	v28 =	vmul.f32 $2.560000000e+02, v22;
	v21 =	vmax.f32 v21, v22  }
0x3a: {  	v27 =	vld [tilespmem:s2+$0x50];
	v29 =	vmul.f32 $2.560000000e+02, v23;
	v31 =	vmul.f32 $2.560000000e+02, v30;
	v21 =	vmax.f32 v21, v23  }
0x3b: {  	v23 =	vmul.f32 $2.560000000e+02, v24;
	v28 =	vmin.f32 v28, $2.550000000e+02;
	v21 =	vmax.f32 v21, v24  }
0x3c: {  	v22 =	vld [tilespmem:s2+$0x60];
	v24 =	vmul.f32 $2.560000000e+02, v25;
	v29 =	vmin.f32 v29, $2.550000000e+02;
	v31 =	vmin.f32 v31, $2.550000000e+02  }
0x3d: {  	s8 =	simm.s32 $0x80;
	s20 =	simm.s32 $0x400;
	v21 =	vmax.f32 v21, v25;
	v23 =	vmin.f32 v23, $2.550000000e+02;
	v25 =	vmul.f32 $2.560000000e+02, v26  }
0x3e: {  	s29 =	simm.s32 $0x20;
	s3 =	sand.u32 $0xC00, s20;
	s2 =	sand.u32 $0x3000, s8;
	v28 =	vtrunc.f32 v28;
	v29 =	vtrunc.f32 v29;
	v21 =	vmax.f32 v21, v26  }
0x3f: {  	s6 =	sand.u32 $0x380, s29;
	s2 =	sor.u32 s3, s2;
	v24 =	vmin.f32 v24, $2.550000000e+02;
	v26 =	vmul.f32 $2.560000000e+02, v27;
	v23 =	vtrunc.f32 v23  }
0x40: {  	s2 =	sor.u32 s6, s2;
	v28 =	vcvt.f32.s32 v28;
	v29 =	vcvt.f32.s32 v29;
	v21 =	vmax.f32 v21, v27  }
0x41: {  	v32 =	vld [tilespmem:s2+$0x20];
	v27 =	vmul.f32 $2.560000000e+02, v22;
	v25 =	vmin.f32 v25, $2.550000000e+02;
	v24 =	vtrunc.f32 v24  }
0x42: {  	v33 =	vld [tilespmem:s2+$0x30];
	v23 =	vcvt.f32.s32 v23;
	v26 =	vmin.f32 v26, $2.550000000e+02;
	v25 =	vtrunc.f32 v25  }
0x43: {  	v34 =	vld [tilespmem:s2+$0x40];
	v21 =	vmax.f32 v21, v22;
	v22 =	vtrunc.f32 v31;
	v24 =	vcvt.f32.s32 v24  }
0x44: {  	v38 =	vld [tilespmem:s2+$0x70];
	v28 =	vshll.u32 v28, $0x4;
	v29 =	vshll.u32 v29, $0x4;
	v27 =	vmin.f32 v27, $2.550000000e+02  }
0x45: {  	v26 =	vtrunc.f32 v26;
	v21 =	vmax.f32 v21, v30;
	v25 =	vcvt.f32.s32 v25  }
0x46: {  	v22 =	vcvt.f32.s32 v22;
	v23 =	vshll.u32 v23, $0x4;
	v28 =	vor.u32 v0, v28  }
0x47: {  	v29 =	vor.u32 v0, v29;
	v27 =	vtrunc.f32 v27;
	v26 =	vcvt.f32.s32 v26  }
0x48: {  	v30 =	vld [tilespmem:s2+$0x0];
	v24 =	vshll.u32 v24, $0x4;
	v37 =	vmul.f32 $2.560000000e+02, v32;
	v52 =	vmul.f32 $2.560000000e+02, v33  }
0x49: {  	v31 =	vld [tilespmem:s2+$0x10];
	v23 =	vor.u32 v0, v23;
	v54 =	vmul.f32 $2.560000000e+02, v34;
	v58 =	vmul.f32 $2.560000000e+02, v38  }
0x4a: {  	v27 =	vcvt.f32.s32 v27;
	v25 =	vshll.u32 v25, $0x4;
	v22 =	vshll.u32 v22, $0x4  }
0x4b: {  	v24 =	vor.u32 v0, v24;
	v26 =	vshll.u32 v26, $0x4;
	v25 =	vor.u32 v0, v25  }
0x4c: {  	v53 =	vmin.f32 v37, $2.550000000e+02;
	v55 =	vmin.f32 v52, $2.550000000e+02;
	v22 =	vor.u32 v0, v22  }
0x4d: {  	v27 =	vshll.u32 v27, $0x4;
	v35 =	vmul.f32 $2.560000000e+02, v30;
	v21 =	vmax.f32 v21, v30;
	v30 =	vld [tilespmem:s2+$0x50]  }
0x4e: {  	v36 =	vmul.f32 $2.560000000e+02, v31;
	v59 =	vtrunc.f32 v55;
	v40 =	vor.u32 v0, v26;
	[tilespmem:v28+s11+$0x0] =	vst.idx.add.f32.msk $0xffff, v2  }
0x4f: {  	v28 =	vtrunc.f32 v53;
	[tilespmem:v29+s11+$0x0] =	vst.idx.add.f32.msk $0xffff, v2;
	v29 =	vmin.f32 v58, $2.550000000e+02;
	v21 =	vmax.f32 v21, v31  }
0x50: {  	v31 =	vld [tilespmem:s2+$0x60];
	v51 =	vmin.f32 v36, $2.550000000e+02;
	v26 =	vtrunc.f32 v29;
	v35 =	vmin.f32 v35, $2.550000000e+02  }
0x51: {  	v21 =	vmax.f32 v21, v32;
	v32 =	vtrunc.f32 v51;
	v26 =	vcvt.f32.s32 v26  }
0x52: {  	s30 =	simm.s32 $0x100;
	s2 =	simm.s32 $0x800;
	v21 =	vmax.f32 v21, v33;
	v35 =	vtrunc.f32 v35;
	[tilespmem:v25+s11+$0x0] =	vst.idx.add.f32.msk $0xffff, v2;
	v25 =	vcvt.f32.s32 v28  }
0x53: {  	s29 =	simm.s32 $0x40;
	s3 =	sand.u32 $0x3000, s30;
	s31 =	sand.u32 $0xC00, s2;
	[tilespmem:v24+s11+$0x0] =	vst.idx.add.f32.msk $0xffff, v2;
	v28 =	vcvt.f32.s32 v59;
	v21 =	vmax.f32 v21, v34;
	v24 =	vcvt.f32.s32 v35  }
0x54: {  	s29 =	sand.u32 $0x380, s29;
	s3 =	sor.u32 s31, s3;
	v56 =	vmul.f32 $2.560000000e+02, v30;
	v21 =	vmax.f32 v21, v30;
	v30 =	vmin.f32 v54, $2.550000000e+02  }
0x55: {  	s3 =	sor.u32 s29, s3;
	v28 =	vshll.u32 v28, $0x4;
	v57 =	vmul.f32 $2.560000000e+02, v31;
	v21 =	vmax.f32 v21, v31  }
0x56: {  	v60 =	vld [tilespmem:s3+$0x0];
	v30 =	vtrunc.f32 v30;
	v61 =	vshll.u32 v24, $0x4;
	v31 =	vmin.f32 v56, $2.550000000e+02  }
0x57: {  	v38 =	vmax.f32 v21, v38;
	v24 =	vcvt.f32.s32 v30;
	v21 =	vmin.f32 v57, $2.550000000e+02  }
0x58: {  	[tilespmem:v23+s11+$0x0] =	vst.idx.add.f32.msk $0xffff, v2;
	v35 =	vor.u32 v0, v61;
	v31 =	vtrunc.f32 v31;
	v23 =	vtrunc.f32 v21  }
0x59: {  	v30 =	vld [tilespmem:s3+$0x10];
	v21 =	vor.u32 v0, v27;
	v27 =	vcvt.f32.s32 v32;
	v29 =	vcvt.f32.s32 v31  }
0x5a: {  	v62 =	vld [tilespmem:s3+$0x20];
	v31 =	vshll.u32 v25, $0x4;
	v63 =	vshll.u32 v24, $0x4;
	v23 =	vcvt.f32.s32 v23  }
0x5b: {  	v41 =	vld [tilespmem:s3+$0x30];
	v32 =	vor.u32 v0, v28;
	v31 =	vor.u32 v0, v31;
	v39 =	vmul.f32 $2.560000000e+02, v60  }
0x5c: {  	v25 =	vld [tilespmem:s3+$0x40];
	v33 =	vor.u32 v0, v63;
	v27 =	vshll.u32 v27, $0x4;
	v24 =	vshll.u32 v23, $0x4  }
0x5d: {  	v23 =	vshll.u32 v26, $0x4;
	v34 =	vor.u32 v0, v27;
	v27 =	vmax.f32 v38, v60;
	v26 =	vld [tilespmem:s3+$0x50]  }
0x5e: {  	v29 =	vshll.u32 v29, $0x4;
	v42 =	vmul.f32 $2.560000000e+02, v30;
	v28 =	vmax.f32 v27, v30;
	v27 =	vld [tilespmem:s3+$0x60]  }
0x5f: {  	v36 =	vmin.f32 v39, $2.550000000e+02;
	v38 =	vmul.f32 $2.560000000e+02, v62;
	v30 =	vmax.f32 v28, v62;
	v28 =	vld [tilespmem:s3+$0x70]  }
0x60: {  	[tilespmem:v40+s11+$0x0] =	vst.idx.add.f32.msk $0xffff, v2;
	v39 =	vmul.f32 $2.560000000e+02, v41;
	s3 =	simm.s32 $0x10;
	v37 =	vmin.f32 v42, $2.550000000e+02;
	v30 =	vmax.f32 v30, v41  }
.LBB2_6:
0x61: {  	v38 =	vmin.f32 v38, $2.550000000e+02;
	v40 =	vmul.f32 $2.560000000e+02, v25;
	v25 =	vmax.f32 v30, v25;
	[tilespmem:v35+s11+$0x0] =	vst.idx.add.f32.msk $0xffff, v2  }
0x62: {  	v30 =	vmin.f32 v39, $2.550000000e+02;
	v35 =	vmul.f32 $2.560000000e+02, v26;
	v25 =	vmax.f32 v25, v26;
	[tilespmem:v34+s11+$0x0] =	vst.idx.add.f32.msk $0xffff, v2  }
0x63: {  	v26 =	vmin.f32 v40, $2.550000000e+02;
	v34 =	vmul.f32 $2.560000000e+02, v27;
	v25 =	vmax.f32 v25, v27;
	[tilespmem:v31+s11+$0x0] =	vst.idx.add.f32.msk $0xffff, v2  }
0x64: {  	v27 =	vmin.f32 v35, $2.550000000e+02;
	v31 =	vmul.f32 $2.560000000e+02, v28;
	v28 =	vmax.f32 v25, v28;
	[tilespmem:v32+s11+$0x0] =	vst.idx.add.f32.msk $0xffff, v2  }
0x65: {  	v25 =	vtrunc.f32 v36;
	v32 =	vtrunc.f32 v37;
	v34 =	vmin.f32 v34, $2.550000000e+02;
	[tilespmem:v33+s11+$0x0] =	vst.idx.add.f32.msk $0xffff, v2  }
0x66: {  	s3 =	sadd.s32 $0x8, s3;
	v30 =	vtrunc.f32 v30;
	v33 =	vtrunc.f32 v38;
	v31 =	vmin.f32 v31, $2.550000000e+02;
	[tilespmem:v21+s11+$0x0] =	vst.idx.add.f32.msk $0xffff, v2  }
0x67: {  	s2 =	sadd.s32 $0x400, s2;
	s6 =	sshll.u32 s3, $0x4;
	p0 =	slt.u32 s3, $0x3F8;
	v40 =	vor.u32 v0, v29;
	v26 =	vtrunc.f32 v26;
	v27 =	vtrunc.f32 v27;
	[tilespmem:v22+s11+$0x0] =	vst.idx.add.f32.msk $0xffff, v2  }
0x68: {  	s29 =	sand.u32 $0xC00, s2;
	s30 =	sshll.u32 s3, $0x2;
	s6 =	sand.u32 $0x3000, s6;
	v29 =	vtrunc.f32 v34;
	v21 =	vor.u32 v0, v24;
	v31 =	vtrunc.f32 v31  }
0x69: {  	s30 =	sand.u32 $0x380, s30;
	s6 =	sor.u32 s29, s6;
	v24 =	vcvt.f32.s32 v25;
	v25 =	vcvt.f32.s32 v32;
	v22 =	vor.u32 v0, v23  }
0x6a: {  	v30 =	vcvt.f32.s32 v30;
	s6 =	sor.u32 s30, s6;
	v23 =	vcvt.f32.s32 v33  }
0x6b: {  	v33 =	vshll.u32 v24, $0x4;
	v24 =	vcvt.f32.s32 v26;
	v26 =	vcvt.f32.s32 v27;
	v32 =	vld [tilespmem:s6+$0x0]  }
0x6c: {  	v34 =	vshll.u32 v25, $0x4;
	v25 =	vcvt.f32.s32 v29;
	v31 =	vcvt.f32.s32 v31;
	v27 =	vld [tilespmem:s6+$0x10]  }
0x6d: {  	v30 =	vshll.u32 v30, $0x4;
	v36 =	vshll.u32 v23, $0x4;
	v38 =	vshll.u32 v24, $0x4;
	v37 =	vld [tilespmem:s6+$0x20]  }
0x6e: {  	v29 =	vshll.u32 v26, $0x4;
	v24 =	vshll.u32 v25, $0x4;
	v23 =	vshll.u32 v31, $0x4;
	v41 =	vld [tilespmem:s6+$0x30]  }
.Ltmp1:
0x6f: {  	v35 =	vor.u32 v0, v33;
	v34 =	vor.u32 v0, v34;
	v31 =	vor.u32 v0, v36;
	v25 =	vld [tilespmem:s6+$0x40];
	(pc) =	sbr.rel @p0 .LBB2_6-.Ltmp1, $4  }
0x70: {  	v36 =	vmul.f32 $2.560000000e+02, v32;
	v28 =	vmax.f32 v28, v32;
	v26 =	vld [tilespmem:s6+$0x50];
	v32 =	vor.u32 v0, v30  }
0x71: {  	v33 =	vor.u32 v0, v38;
	v30 =	vmul.f32 $2.560000000e+02, v27;
	v28 =	vmax.f32 v28, v27;
	v27 =	vld [tilespmem:s6+$0x60]  }
0x72: {  	v36 =	vmin.f32 v36, $2.550000000e+02;
	v38 =	vmul.f32 $2.560000000e+02, v37;
	v42 =	vmax.f32 v28, v37;
	v28 =	vld [tilespmem:s6+$0x70]  }
0x73: {  	v37 =	vmin.f32 v30, $2.550000000e+02;
	v39 =	vmul.f32 $2.560000000e+02, v41;
	v30 =	vmax.f32 v42, v41;
	[tilespmem:v40+s11+$0x0] =	vst.idx.add.f32.msk $0xffff, v2  }
0x74: {  	v40 =	vmul.f32 $2.560000000e+02, v25  }
0x75: {  	v38 =	vmin.f32 v38, $2.550000000e+02;
	v36 =	vtrunc.f32 v36;
	v37 =	vtrunc.f32 v37  }
0x76: {  	v29 =	vor.u32 v0, v29;
	v24 =	vor.u32 v0, v24;
	v41 =	vmul.f32 $2.560000000e+02, v26  }
0x77: {  	v23 =	vor.u32 v0, v23;
	v38 =	vtrunc.f32 v38;
	v36 =	vcvt.f32.s32 v36  }
0x78: {  	[tilespmem:v35+s11+$0x0] =	vst.idx.add.f32.msk $0xffff, v2;
	v39 =	vmin.f32 v39, $2.550000000e+02;
	v37 =	vcvt.f32.s32 v37;
	v42 =	vmul.f32 $2.560000000e+02, v27  }
0x79: {  	[tilespmem:v31+s11+$0x0] =	vst.idx.add.f32.msk $0xffff, v2;
	v40 =	vmin.f32 v40, $2.550000000e+02;
	v39 =	vtrunc.f32 v39;
	v31 =	vcvt.f32.s32 v38  }
0x7a: {  	[tilespmem:v34+s11+$0x0] =	vst.idx.add.f32.msk $0xffff, v2;
	v43 =	vmul.f32 $2.560000000e+02, v28;
	v58 =	vmin.f32 v41, $2.550000000e+02;
	v40 =	vtrunc.f32 v40  }
0x7b: {  	[tilespmem:v32+s11+$0x0] =	vst.idx.add.f32.msk $0xffff, v2;
	v36 =	vshll.u32 v36, $0x4;
	v60 =	vcvt.f32.s32 v39;
	v37 =	vshll.u32 v37, $0x4  }
0x7c: {  	[tilespmem:v33+s11+$0x0] =	vst.idx.add.f32.msk $0xffff, v2;
	v59 =	vmin.f32 v42, $2.550000000e+02;
	v61 =	vcvt.f32.s32 v40;
	v31 =	vshll.u32 v31, $0x4  }
0x7d: {  	[tilespmem:v21+s11+$0x0] =	vst.idx.add.f32.msk $0xffff, v2;
	v63 =	vtrunc.f32 v58;
	v21 =	vshll.u32 v60, $0x4;
	v31 =	vor.u32 v0, v31  }
0x7e: {  	[tilespmem:v22+s11+$0x0] =	vst.idx.add.f32.msk $0xffff, v2;
	v62 =	vmin.f32 v43, $2.550000000e+02;
	v22 =	vshll.u32 v61, $0x4;
	v21 =	vor.u32 v0, v21  }
0x7f: {  	v39 =	vtrunc.f32 v59;
	v32 =	vcvt.f32.s32 v63;
	[tilespmem:v29+s11+$0x0] =	vst.idx.add.f32.msk $0xffff, v2;
	v22 =	vor.u32 v0, v22  }
0x80: {  	v36 =	vor.u32 v0, v36;
	[tilespmem:v24+s11+$0x0] =	vst.idx.add.f32.msk $0xffff, v2;
	v29 =	vtrunc.f32 v62;
	v33 =	vcvt.f32.s32 v39  }
0x81: {  	v37 =	vor.u32 v0, v37;
	[tilespmem:v23+s11+$0x0] =	vst.idx.add.f32.msk $0xffff, v2;
	v29 =	vcvt.f32.s32 v29;
	v32 =	vshll.u32 v32, $0x4  }
0x82: {  	v33 =	vshll.u32 v33, $0x4;
	[tilespmem:v31+s11+$0x0] =	vst.idx.add.f32.msk $0xffff, v2;
	v31 =	vor.u32 v0, v32  }
0x83: {  	v29 =	vshll.u32 v29, $0x4;
	[tilespmem:v21+s11+$0x0] =	vst.idx.add.f32.msk $0xffff, v2;
	v21 =	vor.u32 v0, v33  }
0x84: {  	[tilespmem:v22+s11+$0x0] =	vst.idx.add.f32.msk $0xffff, v2;
	v22 =	vor.u32 v0, v29  }
0x85: {  	[tilespmem:v36+s11+$0x0] =	vst.idx.add.f32.msk $0xffff, v2  }
0x86: {  	p0 =	seq.s32 s26, $0x7;
	[tilespmem:v37+s11+$0x0] =	vst.idx.add.f32.msk $0xffff, v2  }
0x87: {  	s2 =	sadd.s32 @!p0 s28, s23;
	[tilespmem:v31+s11+$0x0] =	vst.idx.add.f32.msk $0xffff, v2  }
0x88: {  	s2 =	sshrl.u32 @!p0 s2, $0x3;
	[tilespmem:v21+s11+$0x0] =	vst.idx.add.f32.msk $0xffff, v2  }
0x89: {  	s6 =	simm.s32 $0x0;
	s3 =	simm.s32 @!p0 $0x0;
	s2 =	sadd.s32 @!p0 s0, s2;
	[tilespmem:v22+s11+$0x0] =	vst.idx.add.f32.msk $0xffff, v2  }
0x8a: {  	[tilespmem:s3], [sflag:$0x1] =	stream.linear.gather @!p0 [hbm4b:s2+s3], $0x4000, $0x38;
	[tilespmem:$0x11380] =	vst v63  }
0x8b: {  	s5 =	simm.s32 $0x0;
	s3 =	sand.u32 $0x3000, s6  }
0x8c: {  	s2 =	sand.u32 $0xC00, s5;
	s6 =	simm.s32 $0x0;
	_ =	swait.ge [sflag:s12], $0x4000  }
0x8d: {  	s6 =	sand.u32 $0x380, s6;
	s2 =	sor.u32 s2, s3;
	[sflag:s12] =	ssyncset.done $0x0  }
0x8e: {  	s2 =	sor.u32 s6, s2;
	[sflag:s12] =	ssyncadd.s32 $0xFFFFC000  }
0x8f: {  	v21 =	vld [tilespmem:s2+$0x4000]  }
0x90: {  	v22 =	vld [tilespmem:s2+$0x4010]  }
0x91: {  	v23 =	vmax.f32 v30, v25;
	v30 =	vld [tilespmem:s2+$0x4070]  }
0x92: {  	v23 =	vmax.f32 v23, v26;
	v24 =	vld [tilespmem:s2+$0x4020]  }
0x93: {  	v23 =	vmax.f32 v23, v27;
	v25 =	vld [tilespmem:s2+$0x4030]  }
0x94: {  	v23 =	vmax.f32 v23, v28;
	v26 =	vld [tilespmem:s2+$0x4040]  }
0x95: {  	v28 =	vmul.f32 $2.560000000e+02, v21;
	v21 =	vmax.f32 v23, v21  }
0x96: {  	v27 =	vld [tilespmem:s2+$0x4050];
	v29 =	vmul.f32 $2.560000000e+02, v22;
	v31 =	vmul.f32 $2.560000000e+02, v30;
	v21 =	vmax.f32 v21, v22  }
0x97: {  	v22 =	vmul.f32 $2.560000000e+02, v24;
	v28 =	vmin.f32 v28, $2.550000000e+02;
	v21 =	vmax.f32 v21, v24  }
0x98: {  	v23 =	vld [tilespmem:s2+$0x4060];
	v24 =	vmul.f32 $2.560000000e+02, v25;
	v29 =	vmin.f32 v29, $2.550000000e+02;
	v31 =	vmin.f32 v31, $2.550000000e+02  }
0x99: {  	s8 =	simm.s32 $0x80;
	s20 =	simm.s32 $0x400;
	v21 =	vmax.f32 v21, v25;
	v22 =	vmin.f32 v22, $2.550000000e+02;
	v25 =	vmul.f32 $2.560000000e+02, v26  }
0x9a: {  	s28 =	simm.s32 $0x20;
	s3 =	sand.u32 $0xC00, s20;
	s2 =	sand.u32 $0x3000, s8;
	v28 =	vtrunc.f32 v28;
	v29 =	vtrunc.f32 v29;
	v21 =	vmax.f32 v21, v26  }
0x9b: {  	s6 =	sand.u32 $0x380, s28;
	s2 =	sor.u32 s3, s2;
	v24 =	vmin.f32 v24, $2.550000000e+02;
	v26 =	vmul.f32 $2.560000000e+02, v27;
	v22 =	vtrunc.f32 v22  }
0x9c: {  	s2 =	sor.u32 s6, s2;
	v28 =	vcvt.f32.s32 v28;
	v29 =	vcvt.f32.s32 v29;
	v21 =	vmax.f32 v21, v27  }
0x9d: {  	v40 =	vld [tilespmem:s2+$0x4020];
	v27 =	vmul.f32 $2.560000000e+02, v23;
	v25 =	vmin.f32 v25, $2.550000000e+02;
	v24 =	vtrunc.f32 v24  }
0x9e: {  	v41 =	vld [tilespmem:s2+$0x4030];
	v22 =	vcvt.f32.s32 v22;
	v26 =	vmin.f32 v26, $2.550000000e+02;
	v25 =	vtrunc.f32 v25  }
0x9f: {  	v42 =	vld [tilespmem:s2+$0x4040];
	v21 =	vmax.f32 v21, v23;
	v23 =	vtrunc.f32 v31;
	v24 =	vcvt.f32.s32 v24  }
0xa0: {  	v46 =	vld [tilespmem:s2+$0x4070];
	v28 =	vshll.u32 v28, $0x4;
	v29 =	vshll.u32 v29, $0x4;
	v27 =	vmin.f32 v27, $2.550000000e+02  }
0xa1: {  	v26 =	vtrunc.f32 v26;
	v21 =	vmax.f32 v21, v30;
	v25 =	vcvt.f32.s32 v25  }
0xa2: {  	v23 =	vcvt.f32.s32 v23;
	v22 =	vshll.u32 v22, $0x4;
	v28 =	vor.u32 v0, v28  }
0xa3: {  	v30 =	vld [tilespmem:s2+$0x4000];
	v29 =	vor.u32 v0, v29;
	v27 =	vtrunc.f32 v27;
	v26 =	vcvt.f32.s32 v26  }
0xa4: {  	v31 =	vld [tilespmem:s2+$0x4010];
	v24 =	vshll.u32 v24, $0x4;
	v45 =	vmul.f32 $2.560000000e+02, v40;
	v48 =	vmul.f32 $2.560000000e+02, v41  }
0xa5: {  	v22 =	vor.u32 v0, v22;
	v50 =	vmul.f32 $2.560000000e+02, v42;
	v54 =	vmul.f32 $2.560000000e+02, v46  }
0xa6: {  	v27 =	vcvt.f32.s32 v27;
	v25 =	vshll.u32 v25, $0x4;
	v23 =	vshll.u32 v23, $0x4  }
0xa7: {  	v24 =	vor.u32 v0, v24;
	v26 =	vshll.u32 v26, $0x4;
	v25 =	vor.u32 v0, v25  }
0xa8: {  	v49 =	vmin.f32 v45, $2.550000000e+02;
	v43 =	vmul.f32 $2.560000000e+02, v30;
	v21 =	vmax.f32 v21, v30;
	v30 =	vld [tilespmem:s2+$0x4050]  }
0xa9: {  	v51 =	vmin.f32 v48, $2.550000000e+02;
	v27 =	vshll.u32 v27, $0x4;
	v44 =	vmul.f32 $2.560000000e+02, v31;
	[tilespmem:v28+s11+$0x0] =	vst.idx.add.f32.msk $0xffff, v2  }
0xaa: {  	v55 =	vtrunc.f32 v51;
	v56 =	vor.u32 v0, v26;
	v28 =	vtrunc.f32 v49;
	[tilespmem:v29+s11+$0x0] =	vst.idx.add.f32.msk $0xffff, v2  }
0xab: {  	v29 =	vmin.f32 v54, $2.550000000e+02;
	v21 =	vmax.f32 v21, v31;
	v31 =	vld [tilespmem:s2+$0x4060];
	v47 =	vmin.f32 v44, $2.550000000e+02  }
0xac: {  	[tilespmem:v22+s11+$0x0] =	vst.idx.add.f32.msk $0xffff, v2;
	v29 =	vtrunc.f32 v29;
	v22 =	vor.u32 v0, v23;
	v23 =	vcvt.f32.s32 v28  }
0xad: {  	v35 =	vmin.f32 v43, $2.550000000e+02;
	v21 =	vmax.f32 v21, v40;
	v32 =	vtrunc.f32 v47  }
0xae: {  	s29 =	simm.s32 $0x100;
	s2 =	simm.s32 $0x800;
	[tilespmem:v24+s11+$0x0] =	vst.idx.add.f32.msk $0xffff, v2;
	v29 =	vcvt.f32.s32 v29;
	v21 =	vmax.f32 v21, v41;
	v35 =	vtrunc.f32 v35  }
0xaf: {  	s31 =	simm.s32 $0x40;
	s3 =	sand.u32 $0x3000, s29;
	s30 =	sand.u32 $0xC00, s2;
	[tilespmem:v25+s11+$0x0] =	vst.idx.add.f32.msk $0xffff, v2;
	v25 =	vcvt.f32.s32 v55;
	v21 =	vmax.f32 v21, v42;
	v24 =	vcvt.f32.s32 v35  }
0xb0: {  	s28 =	sand.u32 $0x380, s31;
	s3 =	sor.u32 s30, s3;
	v52 =	vmul.f32 $2.560000000e+02, v30;
	v21 =	vmax.f32 v21, v30;
	v30 =	vmin.f32 v50, $2.550000000e+02  }
0xb1: {  	s3 =	sor.u32 s28, s3;
	v60 =	vshll.u32 v25, $0x4;
	v53 =	vmul.f32 $2.560000000e+02, v31;
	v21 =	vmax.f32 v21, v31  }
0xb2: {  	v28 =	vld [tilespmem:s3+$0x4000];
	v30 =	vtrunc.f32 v30;
	v57 =	vshll.u32 v24, $0x4;
	v31 =	vmin.f32 v52, $2.550000000e+02  }
0xb3: {  	v58 =	vld [tilespmem:s3+$0x4010];
	v38 =	vmax.f32 v21, v46;
	v24 =	vcvt.f32.s32 v30;
	v21 =	vmin.f32 v53, $2.550000000e+02  }
0xb4: {  	v59 =	vld [tilespmem:s3+$0x4020];
	v35 =	vor.u32 v0, v57;
	v31 =	vtrunc.f32 v31;
	v26 =	vtrunc.f32 v21  }
0xb5: {  	v21 =	vor.u32 v0, v27;
	v27 =	vcvt.f32.s32 v32;
	v30 =	vcvt.f32.s32 v31  }
0xb6: {  	v31 =	vshll.u32 v23, $0x4;
	v61 =	vshll.u32 v24, $0x4;
	v26 =	vcvt.f32.s32 v26  }
0xb7: {  	v62 =	vld [tilespmem:s3+$0x4030];
	v23 =	vshll.u32 v29, $0x4;
	v29 =	vmul.f32 $2.560000000e+02, v28;
	v28 =	vmax.f32 v38, v28  }
0xb8: {  	v63 =	vmul.f32 $2.560000000e+02, v58;
	v27 =	vshll.u32 v27, $0x4;
	v24 =	vshll.u32 v26, $0x4;
	v26 =	vld [tilespmem:s3+$0x4040]  }
0xb9: {  	v32 =	vor.u32 v0, v61;
	v38 =	vmul.f32 $2.560000000e+02, v59;
	v34 =	vor.u32 v0, v27;
	v27 =	vld [tilespmem:s3+$0x4050]  }
0xba: {  	v25 =	vshll.u32 v30, $0x4;
	v30 =	vor.u32 v0, v31;
	v33 =	vmax.f32 v28, v58;
	v28 =	vld [tilespmem:s3+$0x4060]  }
0xbb: {  	v31 =	vor.u32 v0, v60;
	v36 =	vmin.f32 v29, $2.550000000e+02;
	v33 =	vmax.f32 v33, v59;
	v29 =	vld [tilespmem:s3+$0x4070]  }
0xbc: {  	[tilespmem:v56+s11+$0x0] =	vst.idx.add.f32.msk $0xffff, v2;
	v39 =	vmul.f32 $2.560000000e+02, v62;
	s3 =	simm.s32 $0x10;
	v37 =	vmin.f32 v63, $2.550000000e+02;
	v33 =	vmax.f32 v33, v62  }
.LBB2_8:
0xbd: {  	v38 =	vmin.f32 v38, $2.550000000e+02;
	v40 =	vmul.f32 $2.560000000e+02, v26;
	v26 =	vmax.f32 v33, v26;
	[tilespmem:v35+s11+$0x0] =	vst.idx.add.f32.msk $0xffff, v2  }
0xbe: {  	v33 =	vmin.f32 v39, $2.550000000e+02;
	v35 =	vmul.f32 $2.560000000e+02, v27;
	v26 =	vmax.f32 v26, v27;
	[tilespmem:v34+s11+$0x0] =	vst.idx.add.f32.msk $0xffff, v2  }
0xbf: {  	v27 =	vmin.f32 v40, $2.550000000e+02;
	v34 =	vmul.f32 $2.560000000e+02, v28;
	v26 =	vmax.f32 v26, v28;
	[tilespmem:v30+s11+$0x0] =	vst.idx.add.f32.msk $0xffff, v2  }
0xc0: {  	v28 =	vmin.f32 v35, $2.550000000e+02;
	v30 =	vmul.f32 $2.560000000e+02, v29;
	v29 =	vmax.f32 v26, v29;
	[tilespmem:v31+s11+$0x0] =	vst.idx.add.f32.msk $0xffff, v2  }
0xc1: {  	v26 =	vtrunc.f32 v36;
	v31 =	vtrunc.f32 v37;
	v34 =	vmin.f32 v34, $2.550000000e+02;
	[tilespmem:v32+s11+$0x0] =	vst.idx.add.f32.msk $0xffff, v2  }
0xc2: {  	s3 =	sadd.s32 $0x8, s3;
	v33 =	vtrunc.f32 v33;
	v32 =	vtrunc.f32 v38;
	v30 =	vmin.f32 v30, $2.550000000e+02;
	[tilespmem:v21+s11+$0x0] =	vst.idx.add.f32.msk $0xffff, v2  }
0xc3: {  	s2 =	sadd.s32 $0x400, s2;
	s6 =	sshll.u32 s3, $0x4;
	p0 =	slt.u32 s3, $0x3F8;
	v40 =	vor.u32 v0, v25;
	v27 =	vtrunc.f32 v27;
	v28 =	vtrunc.f32 v28;
	[tilespmem:v22+s11+$0x0] =	vst.idx.add.f32.msk $0xffff, v2  }
0xc4: {  	s28 =	sand.u32 $0xC00, s2;
	s29 =	sshll.u32 s3, $0x2;
	s6 =	sand.u32 $0x3000, s6;
	v25 =	vtrunc.f32 v34;
	v21 =	vor.u32 v0, v24;
	v30 =	vtrunc.f32 v30  }
0xc5: {  	s29 =	sand.u32 $0x380, s29;
	s6 =	sor.u32 s28, s6;
	v24 =	vcvt.f32.s32 v26;
	v26 =	vcvt.f32.s32 v31;
	v22 =	vor.u32 v0, v23  }
0xc6: {  	s6 =	sor.u32 s29, s6;
	v31 =	vcvt.f32.s32 v33;
	v23 =	vcvt.f32.s32 v32  }
0xc7: {  	v33 =	vshll.u32 v24, $0x4;
	v24 =	vcvt.f32.s32 v27;
	v27 =	vcvt.f32.s32 v28;
	v32 =	vld [tilespmem:s6+$0x4000]  }
0xc8: {  	v34 =	vshll.u32 v26, $0x4;
	v26 =	vcvt.f32.s32 v25;
	v30 =	vcvt.f32.s32 v30;
	v28 =	vld [tilespmem:s6+$0x4010]  }
0xc9: {  	v31 =	vshll.u32 v31, $0x4;
	v36 =	vshll.u32 v23, $0x4;
	v38 =	vshll.u32 v24, $0x4;
	v37 =	vld [tilespmem:s6+$0x4020]  }
0xca: {  	v25 =	vshll.u32 v27, $0x4;
	v24 =	vshll.u32 v26, $0x4;
	v23 =	vshll.u32 v30, $0x4;
	v41 =	vld [tilespmem:s6+$0x4030]  }
.Ltmp2:
0xcb: {  	v35 =	vor.u32 v0, v33;
	v34 =	vor.u32 v0, v34;
	v30 =	vor.u32 v0, v36;
	v26 =	vld [tilespmem:s6+$0x4040];
	(pc) =	sbr.rel @p0 .LBB2_8-.Ltmp2, $4  }
0xcc: {  	v31 =	vor.u32 v0, v31;
	v33 =	vmul.f32 $2.560000000e+02, v32;
	v29 =	vmax.f32 v29, v32;
	v27 =	vld [tilespmem:s6+$0x4050]  }
0xcd: {  	v32 =	vor.u32 v0, v38;
	v39 =	vmul.f32 $2.560000000e+02, v28;
	v29 =	vmax.f32 v29, v28;
	v28 =	vld [tilespmem:s6+$0x4060]  }
0xce: {  	v36 =	vmin.f32 v33, $2.550000000e+02;
	v38 =	vmul.f32 $2.560000000e+02, v37;
	v33 =	vmax.f32 v29, v37;
	v29 =	vld [tilespmem:s6+$0x4070]  }
0xcf: {  	v37 =	vmin.f32 v39, $2.550000000e+02;
	v39 =	vmul.f32 $2.560000000e+02, v41;
	v33 =	vmax.f32 v33, v41;
	[tilespmem:v40+s11+$0x0] =	vst.idx.add.f32.msk $0xffff, v2  }
0xd0: {  	v40 =	vmul.f32 $2.560000000e+02, v26  }
0xd1: {  	v38 =	vmin.f32 v38, $2.550000000e+02;
	v36 =	vtrunc.f32 v36;
	v37 =	vtrunc.f32 v37  }
0xd2: {  	v25 =	vor.u32 v0, v25;
	v24 =	vor.u32 v0, v24;
	v41 =	vmul.f32 $2.560000000e+02, v27  }
0xd3: {  	v23 =	vor.u32 v0, v23;
	v38 =	vtrunc.f32 v38;
	v36 =	vcvt.f32.s32 v36  }
0xd4: {  	[tilespmem:v35+s11+$0x0] =	vst.idx.add.f32.msk $0xffff, v2;
	v39 =	vmin.f32 v39, $2.550000000e+02;
	v37 =	vcvt.f32.s32 v37;
	v42 =	vmul.f32 $2.560000000e+02, v28  }
0xd5: {  	[tilespmem:v34+s11+$0x0] =	vst.idx.add.f32.msk $0xffff, v2;
	v40 =	vmin.f32 v40, $2.550000000e+02;
	v39 =	vtrunc.f32 v39;
	v55 =	vcvt.f32.s32 v38  }
0xd6: {  	[tilespmem:v30+s11+$0x0] =	vst.idx.add.f32.msk $0xffff, v2;
	v43 =	vmul.f32 $2.560000000e+02, v29;
	v53 =	vmin.f32 v41, $2.550000000e+02;
	v40 =	vtrunc.f32 v40  }
0xd7: {  	[tilespmem:v31+s11+$0x0] =	vst.idx.add.f32.msk $0xffff, v2;
	v36 =	vshll.u32 v36, $0x4;
	v56 =	vcvt.f32.s32 v39;
	v37 =	vshll.u32 v37, $0x4  }
0xd8: {  	[tilespmem:v32+s11+$0x0] =	vst.idx.add.f32.msk $0xffff, v2;
	v54 =	vmin.f32 v42, $2.550000000e+02;
	v36 =	vor.u32 v0, v36;
	v57 =	vcvt.f32.s32 v40  }
0xd9: {  	[tilespmem:v21+s11+$0x0] =	vst.idx.add.f32.msk $0xffff, v2;
	v30 =	vshll.u32 v55, $0x4;
	v59 =	vtrunc.f32 v53;
	v21 =	vshll.u32 v56, $0x4  }
0xda: {  	[tilespmem:v22+s11+$0x0] =	vst.idx.add.f32.msk $0xffff, v2;
	v58 =	vmin.f32 v43, $2.550000000e+02;
	v22 =	vshll.u32 v57, $0x4;
	v21 =	vor.u32 v0, v21  }
0xdb: {  	v60 =	vtrunc.f32 v54;
	v31 =	vcvt.f32.s32 v59;
	[tilespmem:v25+s11+$0x0] =	vst.idx.add.f32.msk $0xffff, v2;
	v22 =	vor.u32 v0, v22  }
0xdc: {  	v37 =	vor.u32 v0, v37;
	[tilespmem:v24+s11+$0x0] =	vst.idx.add.f32.msk $0xffff, v2;
	v61 =	vtrunc.f32 v58;
	v32 =	vcvt.f32.s32 v60  }
0xdd: {  	v30 =	vor.u32 v0, v30;
	[tilespmem:v23+s11+$0x0] =	vst.idx.add.f32.msk $0xffff, v2;
	v25 =	vcvt.f32.s32 v61;
	v31 =	vshll.u32 v31, $0x4  }
0xde: {  	v32 =	vshll.u32 v32, $0x4;
	v62 =	vor.u32 v0, v31;
	[tilespmem:v36+s11+$0x0] =	vst.idx.add.f32.msk $0xffff, v2  }
0xdf: {  	s26 =	sadd.s32 $0x1, s26;
	v25 =	vshll.u32 v25, $0x4;
	[tilespmem:v21+s11+$0x0] =	vst.idx.add.f32.msk $0xffff, v2;
	v21 =	vor.u32 v0, v32  }
0xe0: {  	p0 =	sne.s32 s26, $0x8;
	[tilespmem:v22+s11+$0x0] =	vst.idx.add.f32.msk $0xffff, v2;
	v22 =	vor.u32 v0, v25  }
.Ltmp3:
0xe1: {  	[tilespmem:v37+s11+$0x0] =	vst.idx.add.f32.msk $0xffff, v2;
	(pc) =	sbr.rel @p0 .LBB2_5-.Ltmp3, $4  }
0xe2: {  	v63 =	vmax.f32 v33, v26;
	[tilespmem:v30+s11+$0x0] =	vst.idx.add.f32.msk $0xffff, v2  }
0xe3: {  	v23 =	vmax.f32 v63, v27;
	[tilespmem:v62+s11+$0x0] =	vst.idx.add.f32.msk $0xffff, v2  }
0xe4: {  	v23 =	vmax.f32 v23, v28;
	[tilespmem:v21+s11+$0x0] =	vst.idx.add.f32.msk $0xffff, v2  }
0xe5: {  	v21 =	vmax.f32 v23, v29;
	[tilespmem:v22+s11+$0x0] =	vst.idx.add.f32.msk $0xffff, v2  }
0xe6: {  	s2 =	simm.s32 $0x0  }
0xe7: {  	v22 =	vor.u32 s2, v3;
	v23 =	vor.u32 s2, v5  }
0xe8: {  	v22 =	vand.u32 v4, v22  }
0xe9: {  	s3 =	sshll.u32 s24, $0xF  }
0xea: {  	s3 =	sadd.s32 s0, s3;
	v24 =	vor.u32 s2, v6  }
0xeb: {  	[tilespmem:s2], [sflag:$0x1] =	stream.linear.gather [hbm4b:s3+s2], $0x4000, $0x38;
	[tilespmem:$0x11380] =	vst v63  }
0xec: {  	v25 =	vor.u32 s2, v7;
	v23 =	vld.idx.msk [tilespmem:v23+s11+$0x0], $0xffff  }
0xed: {  	v22 =	vld.idx.msk [tilespmem:v22+s11+$0x0], $0xffff  }
0xee: {  	v26 =	vor.u32 s2, v8  }
0xef: {  	v24 =	vld.idx.msk [tilespmem:v24+s11+$0x0], $0xffff  }
0xf0: {  	v27 =	vor.u32 s2, v9  }
0xf1: {  	v25 =	vld.idx.msk [tilespmem:v25+s11+$0x0], $0xffff  }
0xf2: {  	v28 =	vor.u32 s2, v10;
	v22 =	vadd.f32 v23, v22  }
0xf3: {  	v23 =	vld.idx.msk [tilespmem:v26+s11+$0x0], $0xffff  }
0xf4: {  	v62 =	vor.u32 s2, v11;
	v22 =	vadd.f32 v24, v22  }
0xf5: {  	v63 =	vld.idx.msk [tilespmem:v27+s11+$0x0], $0xffff  }
0xf6: {  	v32 =	vor.u32 s2, v12;
	v22 =	vadd.f32 v25, v22  }
0xf7: {  	v33 =	vld.idx.msk [tilespmem:v28+s11+$0x0], $0xffff  }
0xf8: {  	v34 =	vor.u32 s2, v13;
	v22 =	vadd.f32 v23, v22  }
0xf9: {  	v23 =	vld.idx.msk [tilespmem:v62+s11+$0x0], $0xffff  }
0xfa: {  	v35 =	vor.u32 s2, v14;
	v22 =	vadd.f32 v63, v22  }
0xfb: {  	v36 =	vld.idx.msk [tilespmem:v32+s11+$0x0], $0xffff  }
0xfc: {  	v37 =	vor.u32 s2, v15;
	v22 =	vadd.f32 v33, v22  }
0xfd: {  	v38 =	vld.idx.msk [tilespmem:v34+s11+$0x0], $0xffff  }
0xfe: {  	v22 =	vadd.f32 v23, v22  }
0xff: {  	v39 =	vor.u32 s2, v16;
	v23 =	vld.idx.msk [tilespmem:v35+s11+$0x0], $0xffff  }
0x100: {  	v22 =	vadd.f32 v36, v22  }
0x101: {  	v40 =	vor.u32 s2, v17;
	v41 =	vld.idx.msk [tilespmem:v37+s11+$0x0], $0xffff  }
0x102: {  	v22 =	vadd.f32 v38, v22  }
0x103: {  	v42 =	vor.u32 s2, v18  }
0x104: {  	(xrf0) =	vmax.scan.msk.f32 $0xffff, v21;
	v21 =	vld.idx.msk [tilespmem:v39+s11+$0x0], $0xffff;
	v22 =	vadd.f32 v23, v22  }
0x105: {  	v43 =	vor.u32 s2, v19  }
0x106: {  	v23 =	vld.idx.msk [tilespmem:v40+s11+$0x0], $0xffff;
	v22 =	vadd.f32 v41, v22;
	_ =	sdelay $0x1  }
0x107: {  	v44 =	vld.idx.msk [tilespmem:v42+s11+$0x0], $0xffff  }
0x108: {  	v21 =	vadd.f32 v21, v22  }
0x109: {  	v25 =	vld.idx.msk [tilespmem:v43+s11+$0x0], $0xffff;
	v22, _, _ =	vpop (xrf0)  }
0x10a: {  	v21 =	vadd.f32 v23, v21;
	(v2sf) =	vpush v22, $0xF;
	_ =	sdelay $0x1  }
0x10b: {  	v21 =	vadd.f32 v44, v21;
	_ =	sdelay $0x1  }
0x10c: {  	v21 =	vadd.f32 v25, v21;
	_ =	sdelay $0x1  }
0x10d: {  	(xrf2) =	vadd.scan.msk.f32 $0xffff, v21;
	_ =	sdelay $0x8  }
0x10e: {  	s30 =	spop (v2sf)  }
0x10f: {  	s31 =	simm.f32 $0.0e+00;
	s6 =	simm.s32 $0x100;
	v21, _, _ =	vpop (xrf2);
	s3 =	smul.f32 $3.814697270e-06, s30  }
0x110: {  	v23 =	vor.u32 s6, v5;
	v22 =	vor.u32 s6, v3;
	v45 =	vadd.f32 s31, v21  }
0x111: {  	v22 =	vand.u32 v4, v22;
	v21 =	vmov s3  }
0x112: {  	v46 =	vmul.f32 v45, v21  }
0x113: {  	v47 =	vor.u32 s6, v6;
	s2 =	simm.s32 $0x11000  }
0x114: {  	[tilespmem:s2+$0x0] =	vst v46  }
0x115: {  	v48 =	vor.u32 s6, v7;
	v23 =	vld.idx.msk [tilespmem:v23+s11+$0x0], $0xffff  }
0x116: {  	v22 =	vld.idx.msk [tilespmem:v22+s11+$0x0], $0xffff  }
0x117: {  	v49 =	vor.u32 s6, v8  }
0x118: {  	v26 =	vld.idx.msk [tilespmem:v47+s11+$0x0], $0xffff  }
0x119: {  	v50 =	vor.u32 s6, v9  }
0x11a: {  	v25 =	vld.idx.msk [tilespmem:v48+s11+$0x0], $0xffff  }
0x11b: {  	v22 =	vadd.f32 v23, v22;
	v23 =	vor.u32 s6, v10  }
0x11c: {  	v27 =	vld.idx.msk [tilespmem:v49+s11+$0x0], $0xffff  }
0x11d: {  	v51 =	vor.u32 s6, v11;
	v22 =	vadd.f32 v26, v22  }
0x11e: {  	v28 =	vld.idx.msk [tilespmem:v50+s11+$0x0], $0xffff  }
0x11f: {  	v52 =	vor.u32 s6, v12;
	v22 =	vadd.f32 v25, v22  }
0x120: {  	v23 =	vld.idx.msk [tilespmem:v23+s11+$0x0], $0xffff  }
0x121: {  	v53 =	vor.u32 s6, v13;
	v22 =	vadd.f32 v27, v22  }
0x122: {  	v26 =	vld.idx.msk [tilespmem:v51+s11+$0x0], $0xffff  }
0x123: {  	v54 =	vor.u32 s6, v14;
	v22 =	vadd.f32 v28, v22  }
0x124: {  	v25 =	vld.idx.msk [tilespmem:v52+s11+$0x0], $0xffff  }
0x125: {  	v55 =	vor.u32 s6, v15;
	v22 =	vadd.f32 v23, v22  }
0x126: {  	v23 =	vld.idx.msk [tilespmem:v53+s11+$0x0], $0xffff  }
0x127: {  	v56 =	vor.u32 s6, v16;
	v22 =	vadd.f32 v26, v22  }
0x128: {  	v24 =	vld.idx.msk [tilespmem:v54+s11+$0x0], $0xffff  }
0x129: {  	v58 =	vor.u32 s6, v17;
	(xrf0) =	vmax.scan.msk.f32 $0xffff, v45;
	v22 =	vadd.f32 v25, v22  }
0x12a: {  	v59 =	vld.idx.msk [tilespmem:v55+s11+$0x0], $0xffff  }
0x12b: {  	v60 =	vor.u32 s6, v18;
	v22 =	vadd.f32 v23, v22  }
0x12c: {  	v23 =	vld.idx.msk [tilespmem:v56+s11+$0x0], $0xffff  }
0x12d: {  	v61 =	vor.u32 s6, v19;
	v22 =	vadd.f32 v24, v22  }
0x12e: {  	v62 =	vld.idx.msk [tilespmem:v58+s11+$0x0], $0xffff  }
0x12f: {  	v57, _, _ =	vpop (xrf0);
	v22 =	vadd.f32 v59, v22  }
0x130: {  	v63 =	vld.idx.msk [tilespmem:v60+s11+$0x0], $0xffff;
	(v2sf) =	vpush v57, $0xF  }
0x131: {  	v22 =	vadd.f32 v23, v22  }
0x132: {  	v23 =	vld.idx.msk [tilespmem:v61+s11+$0x0], $0xffff  }
0x133: {  	v22 =	vadd.f32 v62, v22;
	_ =	sdelay $0x1  }
0x134: {  	v22 =	vadd.f32 v63, v22;
	_ =	sdelay $0x1  }
0x135: {  	v22 =	vadd.f32 v23, v22;
	_ =	sdelay $0x1  }
0x136: {  	(xrf2) =	vadd.scan.msk.f32 $0xffff, v22;
	_ =	sdelay $0x5  }
0x137: {  	s25 =	simm.s32 $0x200;
	s6 =	simm.s32 $0x300;
	s26 =	spop (v2sf)  }
.LBB2_11:
0x138: {  	p0 =	sne.s32 s6, $0xF00;
	_ =	sdelay $0x2  }
0x139: {  	v22, _, _ =	vpop (xrf2)  }
0x13a: {  	v23 =	vor.u32 s25, v3;
	v24 =	vor.u32 s25, v5;
	v22 =	vadd.f32 s26, v22  }
0x13b: {  	v23 =	vand.u32 v4, v23  }
0x13c: {  	v25 =	vmul.f32 v22, v21;
	(xrf0) =	vmax.scan.msk.f32 $0xffff, v22  }
0x13d: {  	s2 =	sadd.s32 $0x10, s2;
	v22 =	vor.u32 s25, v6  }
0x13e: {  	[tilespmem:s2+$0x0] =	vst v25  }
0x13f: {  	v25 =	vor.u32 s25, v7;
	v24 =	vld.idx.msk [tilespmem:v24+s11+$0x0], $0xffff  }
0x140: {  	v23 =	vld.idx.msk [tilespmem:v23+s11+$0x0], $0xffff  }
0x141: {  	v26 =	vor.u32 s25, v8  }
0x142: {  	v22 =	vld.idx.msk [tilespmem:v22+s11+$0x0], $0xffff;
	v27, _, _ =	vpop (xrf0)  }
0x143: {  	v28 =	vor.u32 s25, v9;
	(v2sf) =	vpush v27, $0xF  }
0x144: {  	v25 =	vld.idx.msk [tilespmem:v25+s11+$0x0], $0xffff  }
0x145: {  	v27 =	vor.u32 s25, v10  }
0x146: {  	v23 =	vadd.f32 v24, v23;
	v24 =	vld.idx.msk [tilespmem:v26+s11+$0x0], $0xffff  }
0x147: {  	v26 =	vor.u32 s25, v11  }
0x148: {  	v22 =	vadd.f32 v22, v23;
	v23 =	vld.idx.msk [tilespmem:v28+s11+$0x0], $0xffff  }
0x149: {  	v28 =	vor.u32 s25, v12  }
0x14a: {  	v22 =	vadd.f32 v25, v22;
	v25 =	vld.idx.msk [tilespmem:v27+s11+$0x0], $0xffff  }
0x14b: {  	v27 =	vor.u32 s25, v13  }
0x14c: {  	v22 =	vadd.f32 v24, v22;
	v24 =	vld.idx.msk [tilespmem:v26+s11+$0x0], $0xffff  }
0x14d: {  	v26 =	vor.u32 s25, v14  }
0x14e: {  	v22 =	vadd.f32 v23, v22;
	v23 =	vld.idx.msk [tilespmem:v28+s11+$0x0], $0xffff  }
0x14f: {  	v28 =	vor.u32 s25, v15  }
0x150: {  	v22 =	vadd.f32 v25, v22;
	v25 =	vld.idx.msk [tilespmem:v27+s11+$0x0], $0xffff  }
0x151: {  	v27 =	vor.u32 s25, v16  }
0x152: {  	v22 =	vadd.f32 v24, v22;
	v24 =	vld.idx.msk [tilespmem:v26+s11+$0x0], $0xffff;
	s26 =	spop (v2sf)  }
0x153: {  	v26 =	vor.u32 s25, v17  }
0x154: {  	v22 =	vadd.f32 v23, v22;
	v23 =	vld.idx.msk [tilespmem:v28+s11+$0x0], $0xffff  }
0x155: {  	v28 =	vor.u32 s25, v18  }
0x156: {  	v22 =	vadd.f32 v25, v22;
	v25 =	vld.idx.msk [tilespmem:v27+s11+$0x0], $0xffff  }
0x157: {  	v27 =	vor.u32 s25, v19;
	s25 =	smov.u32 s6  }
0x158: {  	v22 =	vadd.f32 v24, v22;
	v24 =	vld.idx.msk [tilespmem:v26+s11+$0x0], $0xffff;
	_ =	sdelay $0x1  }
0x159: {  	v22 =	vadd.f32 v23, v22;
	v23 =	vld.idx.msk [tilespmem:v28+s11+$0x0], $0xffff;
	_ =	sdelay $0x1  }
0x15a: {  	v22 =	vadd.f32 v25, v22;
	v25 =	vld.idx.msk [tilespmem:v27+s11+$0x0], $0xffff;
	_ =	sdelay $0x1  }
0x15b: {  	v22 =	vadd.f32 v24, v22;
	_ =	sdelay $0x1  }
0x15c: {  	v22 =	vadd.f32 v23, v22;
	_ =	sdelay $0x1  }
0x15d: {  	v22 =	vadd.f32 v25, v22;
	_ =	sdelay $0x1  }
0x15e: {  	(xrf2) =	vadd.scan.msk.f32 $0xffff, v22;
	_ =	sdelay $0x1  }
.Ltmp4:
0x15f: {  	(pc) =	sbr.rel @p0 .LBB2_11-.Ltmp4, $2  }
0x160: {  	_ =	sdelay $0x2  }
0x161: {  	s6 =	sadd.s32 $0x100, s6  }
0x162: {  	_ =	sdelay $0x2  }
0x163: {  	v22, _, _ =	vpop (xrf2)  }
0x164: {  	v23 =	vor.u32 s25, v3;
	v24 =	vor.u32 s25, v5;
	v22 =	vadd.f32 s26, v22  }
0x165: {  	v23 =	vand.u32 v4, v23  }
0x166: {  	v25 =	vmul.f32 v22, v21  }
0x167: {  	v26 =	vor.u32 s25, v6;
	s2 =	sadd.s32 $0x10, s2  }
0x168: {  	[tilespmem:s2+$0x0] =	vst v25  }
0x169: {  	v51 =	vor.u32 s25, v7;
	v24 =	vld.idx.msk [tilespmem:v24+s11+$0x0], $0xffff  }
0x16a: {  	v23 =	vld.idx.msk [tilespmem:v23+s11+$0x0], $0xffff  }
0x16b: {  	v27 =	vor.u32 s25, v8  }
0x16c: {  	v26 =	vld.idx.msk [tilespmem:v26+s11+$0x0], $0xffff  }
0x16d: {  	v28 =	vor.u32 s25, v9  }
0x16e: {  	v25 =	vld.idx.msk [tilespmem:v51+s11+$0x0], $0xffff  }
0x16f: {  	v52 =	vor.u32 s25, v10;
	v23 =	vadd.f32 v24, v23  }
0x170: {  	v27 =	vld.idx.msk [tilespmem:v27+s11+$0x0], $0xffff  }
0x171: {  	v53 =	vor.u32 s25, v11;
	v23 =	vadd.f32 v26, v23  }
0x172: {  	v28 =	vld.idx.msk [tilespmem:v28+s11+$0x0], $0xffff  }
0x173: {  	v54 =	vor.u32 s25, v12;
	v23 =	vadd.f32 v25, v23  }
0x174: {  	v24 =	vld.idx.msk [tilespmem:v52+s11+$0x0], $0xffff  }
0x175: {  	v55 =	vor.u32 s25, v13;
	v23 =	vadd.f32 v27, v23  }
0x176: {  	v26 =	vld.idx.msk [tilespmem:v53+s11+$0x0], $0xffff  }
0x177: {  	v56 =	vor.u32 s25, v14;
	v23 =	vadd.f32 v28, v23  }
0x178: {  	v25 =	vld.idx.msk [tilespmem:v54+s11+$0x0], $0xffff  }
0x179: {  	v57 =	vor.u32 s25, v15;
	v23 =	vadd.f32 v24, v23  }
0x17a: {  	v27 =	vld.idx.msk [tilespmem:v55+s11+$0x0], $0xffff  }
0x17b: {  	v58 =	vor.u32 s25, v16;
	v23 =	vadd.f32 v26, v23  }
0x17c: {  	v28 =	vld.idx.msk [tilespmem:v56+s11+$0x0], $0xffff  }
0x17d: {  	v59 =	vor.u32 s25, v17;
	v23 =	vadd.f32 v25, v23  }
0x17e: {  	v24 =	vld.idx.msk [tilespmem:v57+s11+$0x0], $0xffff  }
0x17f: {  	v60 =	vor.u32 s25, v18;
	v23 =	vadd.f32 v27, v23  }
0x180: {  	v26 =	vld.idx.msk [tilespmem:v58+s11+$0x0], $0xffff  }
0x181: {  	(xrf0) =	vmax.scan.msk.f32 $0xffff, v22;
	v22 =	vor.u32 s25, v19;
	v23 =	vadd.f32 v28, v23  }
0x182: {  	v25 =	vld.idx.msk [tilespmem:v59+s11+$0x0], $0xffff  }
0x183: {  	v23 =	vadd.f32 v24, v23  }
0x184: {  	v61 =	vld.idx.msk [tilespmem:v60+s11+$0x0], $0xffff  }
0x185: {  	v23 =	vadd.f32 v26, v23  }
0x186: {  	v22 =	vld.idx.msk [tilespmem:v22+s11+$0x0], $0xffff  }
0x187: {  	v62, _, _ =	vpop (xrf0);
	v23 =	vadd.f32 v25, v23  }
0x188: {  	(v2sf) =	vpush v62, $0xF  }
0x189: {  	v23 =	vadd.f32 v61, v23;
	_ =	sdelay $0x1  }
0x18a: {  	v22 =	vadd.f32 v22, v23;
	_ =	sdelay $0x1  }
0x18b: {  	(xrf2) =	vadd.scan.msk.f32 $0xffff, v22;
	_ =	sdelay $0x9  }
0x18c: {  	s6 =	spop (v2sf);
	v22, _, _ =	vpop (xrf2)  }
0x18d: {  	v22 =	vadd.f32 s6, v22;
	_ =	sdelay $0x1  }
0x18e: {  	(xrf0) =	vmax.scan.msk.f32 $0xffff, v22;
	_ =	sdelay $0x5  }
0x18f: {  	v23, _, _ =	vpop (xrf0)  }
0x190: {  	(v2sf) =	vpush v23, $0xF;
	_ =	sdelay $0xe  }
0x191: {  	s31 =	spop (v2sf)  }
0x192: {  	v21 =	vmul.f32 v22, v21;
	s3 =	smul.f32 s31, s3  }
0x193: {  	s2 =	sadd.s32 $0x10, s2  }
0x194: {  	s20 =	simm.s32 $0x1;
	[tilespmem:s2+$0x0] =	vst v21;
	v21 =	vmov s3  }
0x195: {  	[tilespmem:$0x11100] =	vst v21;
	v21 =	vadd.s32 s20, v0;
	_ =	sdelay $0x2  }
0x196: {  	s5 =	simm.s32 $0x11000  }
0x197: {  	v22 =	vld [tilespmem:s5+$0x0]  }
0x198: {  	v21 =	vld.idx.msk [tilespmem:v21+s13+$0x0], $0xffff;
	_ =	sdelay $0x1  }
0x199: {  	s3 =	simm.s32 $0x0  }
0x19a: {  	s6 =	scvt.s32.f32 s3;
	_ =	sdelay $0x1  }
0x19b: {  	v23 =	vadd.f32 s6, v20;
	v21 =	vsub.f32 v21, v22  }
0x19c: {  	s29 =	simm.s32 $0x11  }
0x19d: {  	v63 =	vadd.s32 s29, v0;
	v23 =	vmul.f32 v21, v23;
	_ =	sdelay $0x1  }
0x19e: {  	s8 =	simm.s32 $0x11280;
	v22 =	vsub.f32 v22, v23  }
0x19f: {  	s2 =	simm.s32 $0x11180;
	[tilespmem:s8+$0x0] =	vst v21  }
0x1a0: {  	[tilespmem:s2+$0x0] =	vst v22  }
0x1a1: {  	s3 =	simm.s32 $0x11010;
	v22 =	vld.idx.msk [tilespmem:v63+s13+$0x0], $0xffff  }
0x1a2: {  	v21 =	vld [tilespmem:s3+$0x0];
	_ =	sdelay $0x1  }
0x1a3: {  	s30 =	simm.s32 $0x10  }
0x1a4: {  	s31 =	scvt.s32.f32 s30;
	_ =	sdelay $0x1  }
0x1a5: {  	s28 =	simm.s32 $0x21;
	v23 =	vadd.f32 s31, v20;
	v22 =	vsub.f32 v22, v21  }
0x1a6: {  	s26 =	simm.s32 $0x30;
	s25 =	simm.s32 $0x11290;
	s6 =	simm.s32 $0x20  }
.LBB2_13:
0x1a7: {  	p0 =	seq.s32 s26, $0xF0;
	v24 =	vadd.s32 s28, v0;
	[tilespmem:s25+$0x0] =	vst v22;
	v22 =	vmul.f32 v22, v23;
	_ =	sdelay $0x1  }
0x1a8: {  	v21 =	vsub.f32 v21, v22  }
0x1a9: {  	s2 =	sadd.s32 $0x10, s2  }
0x1aa: {  	[tilespmem:s2+$0x0] =	vst v21  }
0x1ab: {  	s3 =	sadd.s32 $0x10, s3;
	v22 =	vld.idx.msk [tilespmem:v24+s13+$0x0], $0xffff  }
0x1ac: {  	v21 =	vld [tilespmem:s3+$0x0];
	_ =	sdelay $0x1  }
.Ltmp5:
0x1ad: {  	(pc) =	sbr.rel @!p0 .LBB2_13-.Ltmp5, $3  }
0x1ae: {  	s28 =	scvt.s32.f32 s6;
	s6 =	smov.u32 s26;
	_ =	sdelay $0x1  }
0x1af: {  	v23 =	vadd.f32 s28, v20;
	v22 =	vsub.f32 v22, v21  }
0x1b0: {  	s26 =	sadd.s32 $0x10, s26;
	s25 =	sadd.s32 $0x10, s25;
	s28 =	sadd.s32 $0x1, s6  }
0x1b1: {  	v24 =	vadd.s32 s28, v0;
	v23 =	vmul.f32 v22, v23;
	_ =	sdelay $0x1  }
0x1b2: {  	v21 =	vsub.f32 v21, v23  }
0x1b3: {  	[tilespmem:s25+$0x0] =	vst v22;
	s2 =	sadd.s32 $0x10, s2  }
0x1b4: {  	[tilespmem:s2+$0x0] =	vst v21  }
0x1b5: {  	s3 =	sadd.s32 $0x10, s3;
	v21 =	vld.idx.msk [tilespmem:v24+s13+$0x0], $0xffff  }
0x1b6: {  	v22 =	vld [tilespmem:s3+$0x0];
	_ =	sdelay $0x2  }
0x1b7: {  	s29 =	scvt.s32.f32 s6;
	_ =	sdelay $0x1  }
0x1b8: {  	v23 =	vadd.f32 s29, v20;
	v21 =	vsub.f32 v21, v22;
	_ =	sdelay $0x1  }
0x1b9: {  	v23 =	vmul.f32 v21, v23  }
0x1ba: {  	p0 =	slt.s32 s24, $0x5E  }
0x1bb: {  	s30 =	sadd.s32 $0x10, s25;
	s24 =	simm.s32 @!p0 $0x5E;
	v22 =	vsub.f32 v22, v23  }
0x1bc: {  	s31 =	sshll.u32 s24, $0xF;
	s2 =	sadd.s32 $0x10, s2;
	[tilespmem:s30+$0x0] =	vst v21  }
0x1bd: {  	s25 =	simm.s32 $0x0;
	s26 =	simm.s32 $0x0;
	s24 =	sadd.s32 s31, s7;
	[tilespmem:s2+$0x0] =	vst v22  }
.LBB2_15:
0x1be: {  	s29 =	sshll.u32 s26, $0xF  }
0x1bf: {  	s2 =	sor.u32 s29, s22  }
0x1c0: {  	s30 =	sshrl.u32 s2, $0x3  }
0x1c1: {  	s28 =	sor.u32 $0x800, s30  }
0x1c2: {  	s6 =	sadd.s32 s0, s28  }
0x1c3: {  	[tilespmem:s9], [sflag:$0x2] =	stream.linear.gather [hbm4b:s6+s4], $0x4000, $0x38;
	[tilespmem:$0x11380] =	vst v63  }
0x1c4: {  	_ =	swait.ge [sflag:s10], $0x4000  }
0x1c5: {  	p0 =	seq.s32 s26, $0x0;
	s3 =	simm.s32 $0x0;
	[sflag:s10] =	ssyncset.done $0x0  }
0x1c6: {  	s31 =	simm.s32 $0x0;
	s2 =	simm.s32 @!p0 $0x3;
	[sflag:s10] =	ssyncadd.s32 $0xFFFFC000  }
0x1c7: {  	s3 =	sand.u32 $0x3000, s3;
	s6 =	sand.u32 $0xC00, s25;
	_ =	swait.ge @!p0 [sflag:s2], $0x4000  }
0x1c8: {  	s8 =	sand.u32 $0x380, s31;
	s3 =	sor.u32 s6, s3;
	[sflag:s2] =	ssyncset.done @!p0 $0x0  }
0x1c9: {  	s31 =	sor.u32 s8, s3;
	[sflag:s2] =	ssyncadd.s32 @!p0 $0xFFFFC000  }
0x1ca: {  	v21 =	vld [tilespmem:s31+$0x70]  }
0x1cb: {  	v22 =	vld [tilespmem:s31+$0x0]  }
0x1cc: {  	v23 =	vld [tilespmem:s31+$0x10]  }
0x1cd: {  	v24 =	vld [tilespmem:s31+$0x20]  }
0x1ce: {  	v25 =	vld [tilespmem:s31+$0x30];
	_ =	sdelay $0x1  }
0x1cf: {  	s20 =	simm.s32 $0x80;
	s2 =	simm.s32 $0x400;
	v26 =	vmul.f32 $2.560000000e+02, v21  }
0x1d0: {  	s3 =	sand.u32 $0x3000, s20;
	s8 =	simm.s32 $0x20;
	s5 =	sand.u32 $0xC00, s2;
	v27 =	vmul.f32 $2.560000000e+02, v22  }
0x1d1: {  	s20 =	sand.u32 $0x380, s8;
	s3 =	sor.u32 s5, s3;
	v23 =	vmul.f32 $2.560000000e+02, v23;
	v24 =	vmul.f32 $2.560000000e+02, v24;
	v21 =	vmin.f32 v26, $2.550000000e+02  }
0x1d2: {  	v32 =	vld [tilespmem:s31+$0x50];
	s3 =	sor.u32 s20, s3;
	v25 =	vmul.f32 $2.560000000e+02, v25;
	v21 =	vtrunc.f32 v21  }
0x1d3: {  	v39 =	vld [tilespmem:s3+$0x70];
	v22 =	vmin.f32 v27, $2.550000000e+02;
	v28 =	vmin.f32 v23, $2.550000000e+02;
	v21 =	vcvt.f32.s32 v21  }
0x1d4: {  	v42 =	vld [tilespmem:s3+$0x0];
	v29 =	vmin.f32 v24, $2.550000000e+02;
	v22 =	vtrunc.f32 v22;
	v28 =	vtrunc.f32 v28  }
0x1d5: {  	v29 =	vtrunc.f32 v29;
	v30 =	vcvt.f32.s32 v22;
	v22 =	vld [tilespmem:s31+$0x40]  }
0x1d6: {  	v31 =	vmin.f32 v25, $2.550000000e+02;
	v28 =	vcvt.f32.s32 v28;
	v33 =	vcvt.f32.s32 v29;
	v29 =	vld [tilespmem:s31+$0x60]  }
0x1d7: {  	v44 =	vld [tilespmem:s3+$0x10];
	v31 =	vtrunc.f32 v31  }
0x1d8: {  	v63 =	vld [tilespmem:s3+$0x60];
	v31 =	vcvt.f32.s32 v31  }
0x1d9: {  	v34 =	vld.idx.msk [tilespmem:v21+s15+$0x0], $0xffff  }
0x1da: {  	v45 =	vmul.f32 $2.560000000e+02, v22;
	v22 =	vmul.f32 $2.560000000e+02, v32;
	v41 =	vld.idx.msk [tilespmem:v21+s14+$0x0], $0xffff  }
0x1db: {  	v35 =	vld.idx.msk [tilespmem:v30+s15+$0x0], $0xffff;
	v21 =	vmul.f32 $2.560000000e+02, v29  }
0x1dc: {  	v36 =	vld.idx.msk [tilespmem:v28+s15+$0x0], $0xffff;
	v29 =	vmin.f32 v45, $2.550000000e+02;
	v38 =	vmin.f32 v22, $2.550000000e+02  }
0x1dd: {  	v59 =	vld.idx.msk [tilespmem:v33+s15+$0x0], $0xffff;
	v29 =	vtrunc.f32 v29;
	v38 =	vtrunc.f32 v38;
	v40 =	vmin.f32 v21, $2.550000000e+02  }
0x1de: {  	v37 =	vld.idx.msk [tilespmem:v31+s15+$0x0], $0xffff;
	v40 =	vtrunc.f32 v40;
	v43 =	vcvt.f32.s32 v29  }
0x1df: {  	v60 =	vld [tilespmem:s3+$0x20];
	v52 =	vcvt.f32.s32 v38;
	v38 =	vmul.f32 $2.560000000e+02, v63  }
0x1e0: {  	v62 =	vld [tilespmem:s3+$0x50];
	v29 =	vcvt.f32.s32 v40;
	v46 =	vmul.f32 v34, v26  }
0x1e1: {  	v49 =	vmul.f32 v35, v27;
	v51 =	vmul.f32 v36, v23  }
0x1e2: {  	v61 =	vld [tilespmem:s3+$0x30];
	v34 =	vmul.f32 $2.560000000e+02, v39;
	v36 =	vmul.f32 v59, v24  }
0x1e3: {  	v27 =	vmul.f32 $2.560000000e+02, v42;
	v35 =	vmul.f32 v37, v25  }
0x1e4: {  	v30 =	vld.idx.msk [tilespmem:v30+s14+$0x0], $0xffff;
	v25 =	vmul.f32 $2.560000000e+02, v44;
	v26 =	vmul.f32 $2.560000000e+02, v60  }
0x1e5: {  	v56 =	vld.idx.msk [tilespmem:v28+s14+$0x0], $0xffff;
	v37 =	vmul.f32 $2.560000000e+02, v62;
	v62 =	vmin.f32 v38, $2.550000000e+02;
	v24 =	vmin.f32 v34, $2.550000000e+02  }
0x1e6: {  	v23 =	vld [tilespmem:s3+$0x40];
	v57 =	vmin.f32 v27, $2.550000000e+02;
	v44 =	vmin.f32 v25, $2.550000000e+02;
	v58 =	vtrunc.f32 v24  }
0x1e7: {  	v59 =	vmin.f32 v26, $2.550000000e+02;
	v24 =	vmul.f32 $2.560000000e+02, v61;
	v53 =	vld.idx.msk [tilespmem:v43+s15+$0x0], $0xffff;
	v54 =	vcvt.f32.s32 v58  }
0x1e8: {  	v50 =	vmin.f32 v37, $2.550000000e+02;
	v47 =	vtrunc.f32 v57;
	v44 =	vtrunc.f32 v44;
	v39 =	vld.idx.msk [tilespmem:v52+s15+$0x0], $0xffff  }
0x1e9: {  	v41 =	vadd.f32 v46, v41;
	v55 =	vtrunc.f32 v59;
	v32 =	vcvt.f32.s32 v47;
	v47 =	vld.idx.msk [tilespmem:v31+s14+$0x0], $0xffff  }
0x1ea: {  	v57 =	vtrunc.f32 v50;
	v58 =	vtrunc.f32 v62;
	v40 =	vld.idx.msk [tilespmem:v29+s15+$0x0], $0xffff;
	v48 =	vmin.f32 v24, $2.550000000e+02  }
0x1eb: {  	v50 =	vadd.f32 v49, v30;
	v23 =	vmul.f32 $2.560000000e+02, v23;
	v28 =	vtrunc.f32 v48;
	v48 =	vld.idx.msk [tilespmem:v33+s14+$0x0], $0xffff  }
0x1ec: {  	v31 =	vcvt.f32.s32 v55;
	v63 =	vmin.f32 v41, $1.000000000e+00;
	v33 =	vcvt.f32.s32 v44;
	v44 =	vld.idx.msk [tilespmem:v43+s14+$0x0], $0xffff  }
0x1ed: {  	v41 =	vcvt.f32.s32 v57;
	v60 =	vmin.f32 v23, $2.550000000e+02;
	v30 =	vcvt.f32.s32 v28;
	v46 =	vld.idx.msk [tilespmem:v54+s15+$0x0], $0xffff  }
0x1ee: {  	v61 =	vtrunc.f32 v60;
	v49 =	vmul.f32 v53, v45;
	v45 =	vld.idx.msk [tilespmem:v52+s14+$0x0], $0xffff  }
0x1ef: {  	s6 =	simm.s32 $0x8;
	v51 =	vadd.f32 v51, v56;
	[tilespmem:s31+$0x8070] =	vst v63;
	v42 =	vcvt.f32.s32 v58;
	v28 =	vcvt.f32.s32 v61;
	v43 =	vld.idx.msk [tilespmem:v54+s14+$0x0], $0xffff  }
.LBB2_16:
0x1f0: {  	s6 =	sadd.s32 $0x8, s6;
	v36 =	vadd.f32 v36, v48;
	v39 =	vmul.f32 v39, v22;
	v48 =	vld.idx.msk [tilespmem:v29+s14+$0x0], $0xffff;
	v40 =	vmul.f32 v40, v21  }
0x1f1: {  	s2 =	sadd.s32 $0x400, s2;
	v54 =	vmin.f32 v50, $1.000000000e+00;
	v35 =	vadd.f32 v35, v47;
	v22 =	vmovc v37;
	v21 =	vmovc v38;
	s8 =	sshll.u32 s6, $0x4;
	p1 =	slt.u32 s6, $0x3F8;
	v52 =	vld.idx.msk [tilespmem:v32+s15+$0x0], $0xffff;
	v50 =	vmin.f32 v51, $1.000000000e+00  }
0x1f2: {  	v53 =	vmovc v41;
	s20 =	sand.u32 $0xC00, s2;
	s5 =	sshll.u32 s6, $0x2;
	v34 =	vmul.f32 v46, v34;
	v29 =	vmov v42;
	s8 =	sand.u32 $0x3000, s8;
	v37 =	vld.idx.msk [tilespmem:v33+s15+$0x0], $0xffff;
	[tilespmem:s31+$0x8000] =	vst v54;
	v36 =	vmin.f32 v36, $1.000000000e+00  }
0x1f3: {  	s5 =	sand.u32 $0x380, s5;
	v35 =	vmin.f32 v35, $1.000000000e+00;
	v41 =	vadd.f32 v49, v44;
	s8 =	sor.u32 s20, s8;
	v38 =	vld.idx.msk [tilespmem:v31+s15+$0x0], $0xffff;
	[tilespmem:s31+$0x8010] =	vst v50  }
0x1f4: {  	v34 =	vadd.f32 v34, v43;
	s5 =	sor.u32 s5, s8;
	v42 =	vld.idx.msk [tilespmem:v30+s15+$0x0], $0xffff;
	[tilespmem:s31+$0x8020] =	vst v36  }
0x1f5: {  	v36 =	vadd.f32 v39, v45;
	v43 =	vld [tilespmem:s5+$0x70];
	[tilespmem:s31+$0x8030] =	vst v35;
	v35 =	vmin.f32 v41, $1.000000000e+00  }
0x1f6: {  	v34 =	vmin.f32 v34, $1.000000000e+00;
	v39 =	vld [tilespmem:s5+$0x0];
	[tilespmem:s31+$0x8040] =	vst v35;
	v35 =	vadd.f32 v40, v48  }
0x1f7: {  	v45 =	vmul.f32 v52, v27;
	v27 =	vmin.f32 v36, $1.000000000e+00;
	v40 =	vld [tilespmem:s5+$0x10];
	[tilespmem:s3+$0x8070] =	vst v34  }
0x1f8: {  	v49 =	vmul.f32 v37, v25;
	v41 =	vld [tilespmem:s5+$0x20];
	[tilespmem:s31+$0x8050] =	vst v27;
	v25 =	vmin.f32 v35, $1.000000000e+00  }
0x1f9: {  	v36 =	vmul.f32 v38, v26;
	v37 =	vld [tilespmem:s5+$0x30];
	[tilespmem:s31+$0x8060] =	vst v25;
	s31 =	smov.u32 s3;
	s3 =	smov.u32 s5  }
0x1fa: {  	v35 =	vmul.f32 v42, v24;
	v38 =	vld [tilespmem:s3+$0x40];
	v34 =	vmul.f32 $2.560000000e+02, v43  }
0x1fb: {  	v27 =	vmul.f32 $2.560000000e+02, v39;
	v42 =	vld [tilespmem:s3+$0x50]  }
0x1fc: {  	v25 =	vmul.f32 $2.560000000e+02, v40;
	v43 =	vld [tilespmem:s3+$0x60];
	v24 =	vmin.f32 v34, $2.550000000e+02  }
0x1fd: {  	v40 =	vmin.f32 v27, $2.550000000e+02;
	v26 =	vmul.f32 $2.560000000e+02, v41;
	v39 =	vtrunc.f32 v24;
	v52 =	vld.idx.msk [tilespmem:v28+s15+$0x0], $0xffff  }
0x1fe: {  	v41 =	vmin.f32 v25, $2.550000000e+02;
	v24 =	vmul.f32 $2.560000000e+02, v37;
	v50 =	vcvt.f32.s32 v39;
	v39 =	vld.idx.msk [tilespmem:v53+s15+$0x0], $0xffff  }
0x1ff: {  	v44 =	vtrunc.f32 v40;
	v46 =	vmin.f32 v26, $2.550000000e+02;
	v54 =	vmul.f32 $2.560000000e+02, v38;
	v40 =	vld.idx.msk [tilespmem:v29+s15+$0x0], $0xffff  }
0x200: {  	v41 =	vtrunc.f32 v41;
	v47 =	vmin.f32 v24, $2.550000000e+02;
	v37 =	vmul.f32 $2.560000000e+02, v42;
	v42 =	vld.idx.msk [tilespmem:v32+s14+$0x0], $0xffff  }
0x201: {  	v51 =	vtrunc.f32 v46;
	v32 =	vmin.f32 v54, $2.550000000e+02;
	v38 =	vmul.f32 $2.560000000e+02, v43;
	v55 =	vld.idx.msk [tilespmem:v33+s14+$0x0], $0xffff  }
0x202: {  	v43 =	vtrunc.f32 v47;
	v56 =	vtrunc.f32 v32;
	v33 =	vmin.f32 v37, $2.550000000e+02;
	v48 =	vld.idx.msk [tilespmem:v31+s14+$0x0], $0xffff  }
.Ltmp6:
0x203: {  	v32 =	vcvt.f32.s32 v44;
	v57 =	vtrunc.f32 v33;
	v31 =	vmin.f32 v38, $2.550000000e+02;
	v47 =	vld.idx.msk [tilespmem:v30+s14+$0x0], $0xffff;
	(pc) =	sbr.rel @p1 .LBB2_16-.Ltmp6, $4  }
0x204: {  	v33 =	vcvt.f32.s32 v41;
	v58 =	vtrunc.f32 v31;
	v46 =	vld.idx.msk [tilespmem:v50+s15+$0x0], $0xffff  }
0x205: {  	v30 =	vcvt.f32.s32 v43;
	v31 =	vcvt.f32.s32 v51;
	v44 =	vld.idx.msk [tilespmem:v28+s14+$0x0], $0xffff  }
0x206: {  	v41 =	vcvt.f32.s32 v57;
	v28 =	vcvt.f32.s32 v56;
	v43 =	vld.idx.msk [tilespmem:v50+s14+$0x0], $0xffff;
	v50 =	vadd.f32 v45, v42  }
0x207: {  	v42 =	vcvt.f32.s32 v58;
	v51 =	vadd.f32 v49, v55;
	v49 =	vmul.f32 v52, v23;
	v23 =	vmovc v54;
	v45 =	vld.idx.msk [tilespmem:v53+s14+$0x0], $0xffff  }
0x208: {  	_ =	sdelay $0x3  }
0x209: {  	v29 =	vld.idx.msk [tilespmem:v29+s14+$0x0], $0xffff  }
0x20a: {  	v52 =	vld.idx.msk [tilespmem:v32+s15+$0x0], $0xffff  }
0x20b: {  	v53 =	vld.idx.msk [tilespmem:v33+s15+$0x0], $0xffff  }
0x20c: {  	v54 =	vld.idx.msk [tilespmem:v31+s15+$0x0], $0xffff  }
0x20d: {  	v55 =	vld.idx.msk [tilespmem:v30+s15+$0x0], $0xffff  }
0x20e: {  	v56 =	vld.idx.msk [tilespmem:v28+s15+$0x0], $0xffff  }
0x20f: {  	v57 =	vld.idx.msk [tilespmem:v41+s15+$0x0], $0xffff  }
0x210: {  	v36 =	vadd.f32 v36, v48;
	v61 =	vmin.f32 v50, $1.000000000e+00;
	v63 =	vld.idx.msk [tilespmem:v32+s14+$0x0], $0xffff  }
0x211: {  	v35 =	vadd.f32 v35, v47;
	v48 =	vld.idx.msk [tilespmem:v33+s14+$0x0], $0xffff;
	v34 =	vmul.f32 v46, v34;
	[tilespmem:s31+$0x8000] =	vst v61;
	v62 =	vmin.f32 v51, $1.000000000e+00  }
0x212: {  	v22 =	vmul.f32 v39, v22;
	v50 =	vld.idx.msk [tilespmem:v42+s15+$0x0], $0xffff;
	[tilespmem:s31+$0x8010] =	vst v62;
	v47 =	vadd.f32 v49, v44;
	v36 =	vmin.f32 v36, $1.000000000e+00  }
0x213: {  	v21 =	vmul.f32 v40, v21;
	v35 =	vmin.f32 v35, $1.000000000e+00;
	v49 =	vld.idx.msk [tilespmem:v31+s14+$0x0], $0xffff;
	v34 =	vadd.f32 v34, v43;
	[tilespmem:s31+$0x8020] =	vst v36  }
0x214: {  	[tilespmem:s31+$0x8030] =	vst v35;
	v51 =	vmin.f32 v47, $1.000000000e+00;
	v22 =	vadd.f32 v22, v45;
	v27 =	vmul.f32 v52, v27;
	v52 =	vld.idx.msk [tilespmem:v30+s14+$0x0], $0xffff  }
0x215: {  	v34 =	vmin.f32 v34, $1.000000000e+00;
	[tilespmem:s31+$0x8040] =	vst v51;
	v21 =	vadd.f32 v21, v29;
	v25 =	vmul.f32 v53, v25;
	v53 =	vld.idx.msk [tilespmem:v28+s14+$0x0], $0xffff  }
0x216: {  	v58 =	vld.idx.msk [tilespmem:v41+s14+$0x0], $0xffff;
	v26 =	vmul.f32 v54, v26;
	[tilespmem:s3+$0x8070] =	vst v34;
	v22 =	vmin.f32 v22, $1.000000000e+00;
	v27 =	vadd.f32 v27, v63  }
0x217: {  	v60 =	vld.idx.msk [tilespmem:v42+s14+$0x0], $0xffff;
	[tilespmem:s31+$0x8050] =	vst v22;
	v21 =	vmin.f32 v21, $1.000000000e+00;
	v22 =	vmul.f32 v55, v24;
	v59 =	vadd.f32 v25, v48  }
0x218: {  	[tilespmem:s31+$0x8060] =	vst v21;
	v21 =	vmul.f32 v56, v23;
	v23 =	vadd.f32 v26, v49;
	v61 =	vmin.f32 v27, $1.000000000e+00  }
0x219: {  	v62 =	vmul.f32 v57, v37;
	v24 =	vmin.f32 v59, $1.000000000e+00;
	v22 =	vadd.f32 v22, v52;
	[tilespmem:s3+$0x8000] =	vst v61  }
0x21a: {  	v63 =	vmul.f32 v50, v38;
	v23 =	vmin.f32 v23, $1.000000000e+00;
	[tilespmem:s3+$0x8010] =	vst v24;
	v21 =	vadd.f32 v21, v53  }
0x21b: {  	p1 =	sne.s32 s26, $0x7;
	[tilespmem:s3+$0x8020] =	vst v23;
	v23 =	vadd.f32 v62, v58;
	v22 =	vmin.f32 v22, $1.000000000e+00  }
.Ltmp7:
0x21c: {  	v21 =	vmin.f32 v21, $1.000000000e+00;
	[tilespmem:s3+$0x8030] =	vst v22;
	v22 =	vadd.f32 v63, v60;
	(pc) =	sbr.rel @p1 .LBB2_19-.Ltmp7, $4  }
0x21d: {  	[tilespmem:s3+$0x8040] =	vst v21;
	v21 =	vmin.f32 v23, $1.000000000e+00  }
0x21e: {  	[tilespmem:s3+$0x8050] =	vst v21;
	v21 =	vmin.f32 v22, $1.000000000e+00  }
0x21f: {  	s2 =	sadd.s32 s1, s30;
	[tilespmem:s3+$0x8060] =	vst v21  }
0x220: {  	[hbm4b:s2+s4] =	stream.linear.scatter [tilespmem:s16], [sflag:$0x3], $0x4000, $0x38;
	[tilespmem:$0x11380] =	vst v63  }
.Ltmp8:
0x221: {  	(pc) =	sbr.rel .LBB2_20-.Ltmp8, $4  }
0x222: {  	[tilespmem:s4], [sflag:$0x1] =	stream.linear.gather [hbm4b:s24+s4], $0x4000, $0x38;
	[tilespmem:$0x11380] =	vst v63  }
0x223: {  	_ =	swait.ge [sflag:s12], $0x4000  }
0x224: {  	[sflag:s12] =	ssyncset.done $0x0  }
0x225: {  	[sflag:s12] =	ssyncadd.s32 $0xFFFFC000  }
.LBB2_19:
0x226: {  	s2 =	sadd.s32 s29, s23  }
0x227: {  	s2 =	sshrl.u32 s2, $0x3  }
.Ltmp9:
0x228: {  	s2 =	sadd.s32 s0, s2;
	(pc) =	sbr.rel @p0 .LBB2_21-.Ltmp9, $4  }
0x229: {  	[tilespmem:s4], [sflag:$0x1] =	stream.linear.gather [hbm4b:s2+s4], $0x4000, $0x38;
	[tilespmem:$0x11380] =	vst v63  }
0x22a: {  	_ =	swait.ge [sflag:s12], $0x4000  }
0x22b: {  	[sflag:s12] =	ssyncset.done $0x0  }
0x22c: {  	[sflag:s12] =	ssyncadd.s32 $0xFFFFC000  }
.LBB2_20:
0x22d: {  	_ =	swait.ge [sflag:s17], $0x4000  }
0x22e: {  	[sflag:s17] =	ssyncset.done $0x0  }
0x22f: {  	[sflag:s17] =	ssyncadd.s32 $0xFFFFC000  }
.LBB2_21:
0x230: {  	s2 =	simm.s32 $0x0;
	s3 =	simm.s32 $0x0  }
0x231: {  	s5 =	simm.s32 $0x0;
	s3 =	sand.u32 $0x3000, s3;
	s2 =	sand.u32 $0xC00, s2  }
0x232: {  	s8 =	sand.u32 $0x380, s5;
	s2 =	sor.u32 s2, s3  }
0x233: {  	s29 =	sor.u32 s8, s2  }
0x234: {  	v21 =	vld [tilespmem:s29+$0x4070]  }
0x235: {  	v22 =	vld [tilespmem:s29+$0x4000]  }
0x236: {  	v23 =	vld [tilespmem:s29+$0x4010]  }
0x237: {  	v24 =	vld [tilespmem:s29+$0x4020]  }
0x238: {  	v25 =	vld [tilespmem:s29+$0x4030];
	_ =	sdelay $0x1  }
0x239: {  	s20 =	simm.s32 $0x80;
	s2 =	simm.s32 $0x400;
	v26 =	vmul.f32 $2.560000000e+02, v21  }
0x23a: {  	s6 =	simm.s32 $0x20;
	s3 =	sand.u32 $0x3000, s20;
	s30 =	sand.u32 $0xC00, s2;
	v27 =	vmul.f32 $2.560000000e+02, v22  }
0x23b: {  	s31 =	sand.u32 $0x380, s6;
	s3 =	sor.u32 s30, s3;
	v23 =	vmul.f32 $2.560000000e+02, v23;
	v24 =	vmul.f32 $2.560000000e+02, v24;
	v21 =	vmin.f32 v26, $2.550000000e+02  }
0x23c: {  	v32 =	vld [tilespmem:s29+$0x4050];
	s3 =	sor.u32 s31, s3;
	v25 =	vmul.f32 $2.560000000e+02, v25;
	v21 =	vtrunc.f32 v21  }
0x23d: {  	v39 =	vld [tilespmem:s3+$0x4070];
	v22 =	vmin.f32 v27, $2.550000000e+02;
	v28 =	vmin.f32 v23, $2.550000000e+02;
	v21 =	vcvt.f32.s32 v21  }
0x23e: {  	v42 =	vld [tilespmem:s3+$0x4000];
	v29 =	vmin.f32 v24, $2.550000000e+02;
	v22 =	vtrunc.f32 v22;
	v28 =	vtrunc.f32 v28  }
0x23f: {  	v29 =	vtrunc.f32 v29;
	v30 =	vcvt.f32.s32 v22;
	v22 =	vld [tilespmem:s29+$0x4040]  }
0x240: {  	v31 =	vmin.f32 v25, $2.550000000e+02;
	v28 =	vcvt.f32.s32 v28;
	v33 =	vcvt.f32.s32 v29;
	v29 =	vld [tilespmem:s29+$0x4060]  }
0x241: {  	v44 =	vld [tilespmem:s3+$0x4010];
	v31 =	vtrunc.f32 v31  }
0x242: {  	v63 =	vld [tilespmem:s3+$0x4060];
	v31 =	vcvt.f32.s32 v31  }
0x243: {  	v34 =	vld.idx.msk [tilespmem:v21+s15+$0x0], $0xffff  }
0x244: {  	v45 =	vmul.f32 $2.560000000e+02, v22;
	v22 =	vmul.f32 $2.560000000e+02, v32;
	v41 =	vld.idx.msk [tilespmem:v21+s14+$0x0], $0xffff  }
0x245: {  	v35 =	vld.idx.msk [tilespmem:v30+s15+$0x0], $0xffff;
	v21 =	vmul.f32 $2.560000000e+02, v29  }
0x246: {  	v36 =	vld.idx.msk [tilespmem:v28+s15+$0x0], $0xffff;
	v29 =	vmin.f32 v45, $2.550000000e+02;
	v38 =	vmin.f32 v22, $2.550000000e+02  }
0x247: {  	v59 =	vld.idx.msk [tilespmem:v33+s15+$0x0], $0xffff;
	v29 =	vtrunc.f32 v29;
	v38 =	vtrunc.f32 v38;
	v40 =	vmin.f32 v21, $2.550000000e+02  }
0x248: {  	v37 =	vld.idx.msk [tilespmem:v31+s15+$0x0], $0xffff;
	v40 =	vtrunc.f32 v40;
	v43 =	vcvt.f32.s32 v29  }
0x249: {  	v60 =	vld [tilespmem:s3+$0x4020];
	v52 =	vcvt.f32.s32 v38;
	v38 =	vmul.f32 $2.560000000e+02, v63  }
0x24a: {  	v62 =	vld [tilespmem:s3+$0x4050];
	v29 =	vcvt.f32.s32 v40;
	v46 =	vmul.f32 v34, v26  }
0x24b: {  	v49 =	vmul.f32 v35, v27;
	v51 =	vmul.f32 v36, v23  }
0x24c: {  	v61 =	vld [tilespmem:s3+$0x4030];
	v34 =	vmul.f32 $2.560000000e+02, v39;
	v36 =	vmul.f32 v59, v24  }
0x24d: {  	v27 =	vmul.f32 $2.560000000e+02, v42;
	v35 =	vmul.f32 v37, v25  }
0x24e: {  	v30 =	vld.idx.msk [tilespmem:v30+s14+$0x0], $0xffff;
	v25 =	vmul.f32 $2.560000000e+02, v44;
	v26 =	vmul.f32 $2.560000000e+02, v60  }
0x24f: {  	v56 =	vld.idx.msk [tilespmem:v28+s14+$0x0], $0xffff;
	v37 =	vmul.f32 $2.560000000e+02, v62;
	v62 =	vmin.f32 v38, $2.550000000e+02;
	v24 =	vmin.f32 v34, $2.550000000e+02  }
0x250: {  	v23 =	vld [tilespmem:s3+$0x4040];
	v57 =	vmin.f32 v27, $2.550000000e+02;
	v44 =	vmin.f32 v25, $2.550000000e+02;
	v58 =	vtrunc.f32 v24  }
0x251: {  	v59 =	vmin.f32 v26, $2.550000000e+02;
	v24 =	vmul.f32 $2.560000000e+02, v61;
	v53 =	vld.idx.msk [tilespmem:v43+s15+$0x0], $0xffff;
	v54 =	vcvt.f32.s32 v58  }
0x252: {  	v50 =	vmin.f32 v37, $2.550000000e+02;
	v47 =	vtrunc.f32 v57;
	v44 =	vtrunc.f32 v44;
	v39 =	vld.idx.msk [tilespmem:v52+s15+$0x0], $0xffff  }
0x253: {  	v41 =	vadd.f32 v46, v41;
	v55 =	vtrunc.f32 v59;
	v32 =	vcvt.f32.s32 v47;
	v47 =	vld.idx.msk [tilespmem:v31+s14+$0x0], $0xffff  }
0x254: {  	v57 =	vtrunc.f32 v50;
	v58 =	vtrunc.f32 v62;
	v40 =	vld.idx.msk [tilespmem:v29+s15+$0x0], $0xffff;
	v48 =	vmin.f32 v24, $2.550000000e+02  }
0x255: {  	v50 =	vadd.f32 v49, v30;
	v23 =	vmul.f32 $2.560000000e+02, v23;
	v28 =	vtrunc.f32 v48;
	v48 =	vld.idx.msk [tilespmem:v33+s14+$0x0], $0xffff  }
0x256: {  	v31 =	vcvt.f32.s32 v55;
	v63 =	vmin.f32 v41, $1.000000000e+00;
	v33 =	vcvt.f32.s32 v44;
	v44 =	vld.idx.msk [tilespmem:v43+s14+$0x0], $0xffff  }
0x257: {  	v41 =	vcvt.f32.s32 v57;
	v60 =	vmin.f32 v23, $2.550000000e+02;
	v30 =	vcvt.f32.s32 v28;
	v46 =	vld.idx.msk [tilespmem:v54+s15+$0x0], $0xffff  }
0x258: {  	v61 =	vtrunc.f32 v60;
	v49 =	vmul.f32 v53, v45;
	v45 =	vld.idx.msk [tilespmem:v52+s14+$0x0], $0xffff  }
0x259: {  	s6 =	simm.s32 $0x8;
	v51 =	vadd.f32 v51, v56;
	[tilespmem:s29+$0xC070] =	vst v63;
	v42 =	vcvt.f32.s32 v58;
	v28 =	vcvt.f32.s32 v61;
	v43 =	vld.idx.msk [tilespmem:v54+s14+$0x0], $0xffff  }
.LBB2_22:
0x25a: {  	s6 =	sadd.s32 $0x8, s6;
	v36 =	vadd.f32 v36, v48;
	v39 =	vmul.f32 v39, v22;
	v48 =	vld.idx.msk [tilespmem:v29+s14+$0x0], $0xffff;
	v40 =	vmul.f32 v40, v21  }
0x25b: {  	s2 =	sadd.s32 $0x400, s2;
	v54 =	vmin.f32 v50, $1.000000000e+00;
	v35 =	vadd.f32 v35, v47;
	v22 =	vmovc v37;
	v21 =	vmovc v38;
	s5 =	sshll.u32 s6, $0x4;
	p0 =	slt.u32 s6, $0x3F8;
	v52 =	vld.idx.msk [tilespmem:v32+s15+$0x0], $0xffff;
	v50 =	vmin.f32 v51, $1.000000000e+00  }
0x25c: {  	v53 =	vmovc v41;
	s8 =	sand.u32 $0xC00, s2;
	s20 =	sshll.u32 s6, $0x2;
	v34 =	vmul.f32 v46, v34;
	v29 =	vmov v42;
	s5 =	sand.u32 $0x3000, s5;
	v37 =	vld.idx.msk [tilespmem:v33+s15+$0x0], $0xffff;
	[tilespmem:s29+$0xC000] =	vst v54;
	v36 =	vmin.f32 v36, $1.000000000e+00  }
0x25d: {  	v35 =	vmin.f32 v35, $1.000000000e+00;
	v41 =	vadd.f32 v49, v44;
	s5 =	sor.u32 s8, s5;
	s8 =	sand.u32 $0x380, s20;
	v38 =	vld.idx.msk [tilespmem:v31+s15+$0x0], $0xffff;
	[tilespmem:s29+$0xC010] =	vst v50  }
0x25e: {  	v34 =	vadd.f32 v34, v43;
	s5 =	sor.u32 s8, s5;
	v42 =	vld.idx.msk [tilespmem:v30+s15+$0x0], $0xffff;
	[tilespmem:s29+$0xC020] =	vst v36  }
0x25f: {  	v36 =	vadd.f32 v39, v45;
	v43 =	vld [tilespmem:s5+$0x4070];
	[tilespmem:s29+$0xC030] =	vst v35;
	v35 =	vmin.f32 v41, $1.000000000e+00  }
0x260: {  	v34 =	vmin.f32 v34, $1.000000000e+00;
	v39 =	vld [tilespmem:s5+$0x4000];
	[tilespmem:s29+$0xC040] =	vst v35;
	v35 =	vadd.f32 v40, v48  }
0x261: {  	v45 =	vmul.f32 v52, v27;
	v27 =	vmin.f32 v36, $1.000000000e+00;
	v40 =	vld [tilespmem:s5+$0x4010];
	[tilespmem:s3+$0xC070] =	vst v34  }
0x262: {  	v49 =	vmul.f32 v37, v25;
	v41 =	vld [tilespmem:s5+$0x4020];
	[tilespmem:s29+$0xC050] =	vst v27;
	v25 =	vmin.f32 v35, $1.000000000e+00  }
0x263: {  	v36 =	vmul.f32 v38, v26;
	v37 =	vld [tilespmem:s5+$0x4030];
	[tilespmem:s29+$0xC060] =	vst v25;
	s29 =	smov.u32 s3;
	s3 =	smov.u32 s5  }
0x264: {  	v35 =	vmul.f32 v42, v24;
	v38 =	vld [tilespmem:s3+$0x4040];
	v34 =	vmul.f32 $2.560000000e+02, v43  }
0x265: {  	v27 =	vmul.f32 $2.560000000e+02, v39;
	v42 =	vld [tilespmem:s3+$0x4050]  }
0x266: {  	v25 =	vmul.f32 $2.560000000e+02, v40;
	v43 =	vld [tilespmem:s3+$0x4060];
	v24 =	vmin.f32 v34, $2.550000000e+02  }
0x267: {  	v40 =	vmin.f32 v27, $2.550000000e+02;
	v26 =	vmul.f32 $2.560000000e+02, v41;
	v39 =	vtrunc.f32 v24;
	v52 =	vld.idx.msk [tilespmem:v28+s15+$0x0], $0xffff  }
0x268: {  	v41 =	vmin.f32 v25, $2.550000000e+02;
	v24 =	vmul.f32 $2.560000000e+02, v37;
	v50 =	vcvt.f32.s32 v39;
	v39 =	vld.idx.msk [tilespmem:v53+s15+$0x0], $0xffff  }
0x269: {  	v44 =	vtrunc.f32 v40;
	v46 =	vmin.f32 v26, $2.550000000e+02;
	v54 =	vmul.f32 $2.560000000e+02, v38;
	v40 =	vld.idx.msk [tilespmem:v29+s15+$0x0], $0xffff  }
0x26a: {  	v41 =	vtrunc.f32 v41;
	v47 =	vmin.f32 v24, $2.550000000e+02;
	v37 =	vmul.f32 $2.560000000e+02, v42;
	v42 =	vld.idx.msk [tilespmem:v32+s14+$0x0], $0xffff  }
0x26b: {  	v51 =	vtrunc.f32 v46;
	v32 =	vmin.f32 v54, $2.550000000e+02;
	v38 =	vmul.f32 $2.560000000e+02, v43;
	v55 =	vld.idx.msk [tilespmem:v33+s14+$0x0], $0xffff  }
0x26c: {  	v43 =	vtrunc.f32 v47;
	v56 =	vtrunc.f32 v32;
	v33 =	vmin.f32 v37, $2.550000000e+02;
	v48 =	vld.idx.msk [tilespmem:v31+s14+$0x0], $0xffff  }
.Ltmp10:
0x26d: {  	v32 =	vcvt.f32.s32 v44;
	v57 =	vtrunc.f32 v33;
	v31 =	vmin.f32 v38, $2.550000000e+02;
	v47 =	vld.idx.msk [tilespmem:v30+s14+$0x0], $0xffff;
	(pc) =	sbr.rel @p0 .LBB2_22-.Ltmp10, $4  }
0x26e: {  	v33 =	vcvt.f32.s32 v41;
	v58 =	vtrunc.f32 v31;
	v46 =	vld.idx.msk [tilespmem:v50+s15+$0x0], $0xffff  }
0x26f: {  	v30 =	vcvt.f32.s32 v43;
	v31 =	vcvt.f32.s32 v51;
	v44 =	vld.idx.msk [tilespmem:v28+s14+$0x0], $0xffff  }
0x270: {  	v41 =	vcvt.f32.s32 v57;
	v28 =	vcvt.f32.s32 v56;
	v43 =	vld.idx.msk [tilespmem:v50+s14+$0x0], $0xffff;
	v50 =	vadd.f32 v45, v42  }
0x271: {  	v42 =	vcvt.f32.s32 v58;
	v51 =	vadd.f32 v49, v55;
	v49 =	vmul.f32 v52, v23;
	v23 =	vmovc v54;
	v45 =	vld.idx.msk [tilespmem:v53+s14+$0x0], $0xffff  }
0x272: {  	_ =	sdelay $0x3  }
0x273: {  	v29 =	vld.idx.msk [tilespmem:v29+s14+$0x0], $0xffff  }
0x274: {  	v52 =	vld.idx.msk [tilespmem:v32+s15+$0x0], $0xffff  }
0x275: {  	v53 =	vld.idx.msk [tilespmem:v33+s15+$0x0], $0xffff  }
0x276: {  	v54 =	vld.idx.msk [tilespmem:v31+s15+$0x0], $0xffff  }
0x277: {  	v55 =	vld.idx.msk [tilespmem:v30+s15+$0x0], $0xffff  }
0x278: {  	v56 =	vld.idx.msk [tilespmem:v28+s15+$0x0], $0xffff  }
0x279: {  	v57 =	vld.idx.msk [tilespmem:v41+s15+$0x0], $0xffff  }
0x27a: {  	v36 =	vadd.f32 v36, v48;
	v61 =	vmin.f32 v50, $1.000000000e+00;
	v63 =	vld.idx.msk [tilespmem:v32+s14+$0x0], $0xffff  }
0x27b: {  	v35 =	vadd.f32 v35, v47;
	v48 =	vld.idx.msk [tilespmem:v33+s14+$0x0], $0xffff;
	v34 =	vmul.f32 v46, v34;
	[tilespmem:s29+$0xC000] =	vst v61;
	v62 =	vmin.f32 v51, $1.000000000e+00  }
0x27c: {  	v22 =	vmul.f32 v39, v22;
	v50 =	vld.idx.msk [tilespmem:v42+s15+$0x0], $0xffff;
	[tilespmem:s29+$0xC010] =	vst v62;
	v47 =	vadd.f32 v49, v44;
	v36 =	vmin.f32 v36, $1.000000000e+00  }
0x27d: {  	v21 =	vmul.f32 v40, v21;
	v35 =	vmin.f32 v35, $1.000000000e+00;
	v49 =	vld.idx.msk [tilespmem:v31+s14+$0x0], $0xffff;
	v34 =	vadd.f32 v34, v43;
	[tilespmem:s29+$0xC020] =	vst v36  }
0x27e: {  	[tilespmem:s29+$0xC030] =	vst v35;
	v51 =	vmin.f32 v47, $1.000000000e+00;
	v22 =	vadd.f32 v22, v45;
	v27 =	vmul.f32 v52, v27;
	v52 =	vld.idx.msk [tilespmem:v30+s14+$0x0], $0xffff  }
0x27f: {  	v34 =	vmin.f32 v34, $1.000000000e+00;
	[tilespmem:s29+$0xC040] =	vst v51;
	v21 =	vadd.f32 v21, v29;
	v25 =	vmul.f32 v53, v25;
	v53 =	vld.idx.msk [tilespmem:v28+s14+$0x0], $0xffff  }
0x280: {  	v58 =	vld.idx.msk [tilespmem:v41+s14+$0x0], $0xffff;
	v26 =	vmul.f32 v54, v26;
	[tilespmem:s3+$0xC070] =	vst v34;
	v22 =	vmin.f32 v22, $1.000000000e+00;
	v27 =	vadd.f32 v27, v63  }
0x281: {  	v60 =	vld.idx.msk [tilespmem:v42+s14+$0x0], $0xffff;
	[tilespmem:s29+$0xC050] =	vst v22;
	v21 =	vmin.f32 v21, $1.000000000e+00;
	v22 =	vmul.f32 v55, v24;
	v59 =	vadd.f32 v25, v48  }
0x282: {  	[tilespmem:s29+$0xC060] =	vst v21;
	v21 =	vmul.f32 v56, v23;
	v23 =	vadd.f32 v26, v49;
	v61 =	vmin.f32 v27, $1.000000000e+00  }
0x283: {  	v62 =	vmul.f32 v57, v37;
	v24 =	vmin.f32 v59, $1.000000000e+00;
	v22 =	vadd.f32 v22, v52;
	[tilespmem:s3+$0xC000] =	vst v61  }
0x284: {  	s26 =	sadd.s32 $0x1, s26;
	v63 =	vmul.f32 v50, v38;
	v23 =	vmin.f32 v23, $1.000000000e+00;
	[tilespmem:s3+$0xC010] =	vst v24;
	v21 =	vadd.f32 v21, v53  }
0x285: {  	p0 =	sne.s32 s26, $0x8;
	[tilespmem:s3+$0xC020] =	vst v23;
	v23 =	vadd.f32 v62, v58;
	v22 =	vmin.f32 v22, $1.000000000e+00  }
.Ltmp11:
0x286: {  	v21 =	vmin.f32 v21, $1.000000000e+00;
	[tilespmem:s3+$0xC030] =	vst v22;
	v22 =	vadd.f32 v63, v60;
	(pc) =	sbr.rel @p0 .LBB2_15-.Ltmp11, $4  }
0x287: {  	[tilespmem:s3+$0xC040] =	vst v21;
	v21 =	vmin.f32 v23, $1.000000000e+00  }
0x288: {  	[tilespmem:s3+$0xC050] =	vst v21;
	v21 =	vmin.f32 v22, $1.000000000e+00  }
0x289: {  	s2 =	sadd.s32 s1, s28;
	[tilespmem:s3+$0xC060] =	vst v21  }
0x28a: {  	[hbm4b:s2+s4] =	stream.linear.scatter [tilespmem:s18], [sflag:$0x4], $0x4000, $0x38;
	[tilespmem:$0x11380] =	vst v63  }
0x28b: {  	s21 =	sadd.s32 $0x1, s21  }
0x28c: {  	_ =	swait.ge [sflag:s19], $0x4000;
	p0 =	sne.s32 s21, $0x3  }
.Ltmp12:
0x28d: {  	[sflag:s19] =	ssyncset.done $0x0;
	(pc) =	sbr.rel @p0 .LBB2_2-.Ltmp12, $4  }
0x28e: {  	[sflag:s19] =	ssyncadd.s32 $0xFFFFC000  }
0x28f: {  	_ =	swait.ge [sflag:s17], $0x4000  }
0x290: {  	[sflag:s17] =	ssyncset.done $0x0  }
0x291: {  	[sflag:s17] =	ssyncadd.s32 $0xFFFFC000  }
0x292: {  	_ =	swait.ge [sflag:s10], $0x4000  }
0x293: {  	s3 =	rddreg [dreg:$0x6]  }
0x294: {  	s2 =	rddreg [dreg:$0x5];
	s3 =	sadd.s32 $0x1, s3  }
0x295: {  	p0 =	sne.s32 s3, s2  }
.Ltmp13:
0x296: {  	_ = 	snop;
	(pc) =	sbr.rel @p0 .LBB2_1-.Ltmp13, $3  }
0x297: {  	_ =	sdelay $0x1  }
0x298: {  	[sflag:s10] =	ssyncset.done $0x0  }
0x299: {  	[sflag:s10] =	ssyncadd.s32 $0xFFFFC000  }
0x29a: {  	_ =	sfence.sel $0x180000  }
0x29b: {  	[bflag:$0x0] =	sbarrier.arrive $0xFFFF  }
0x29c: {  	_ =	strace $0x90000047  }
0x29d: {  	s0 =	stileid.u32;
	[bflag:$0x2] =	sbarrier.arrive $0xFFFF  }
0x29e: {  	p0 =	sne.s32 s0, $0x0;
	s0 =	rddreg [dreg:$0x2]  }
0x29f: {  	s0 =	sadd.s32 @!p0 $0x100000, s0  }
0x2a0: {  	[sflag:s0] =	ssyncadd.tile.s32 @!p0 $0x1;
	_ =	shalt  }
.Lfunc_end2:
_tile_overlayer_lowered:
.L_overlay_start_2:
0x2a1: {  	(tag) =	ssettag $0x2  }
0x2a2: {  	s0 =	rddreg [dreg:$0x0];
	s2 =	stileid.u32  }
0x2a3: {  	s1 =	rddreg [dreg:$0x1];
	p0 =	sne.s32 s2, $0x0  }
0x2a4: {  	s3 =	rddreg [dreg:$0x2];
	[bflag:$0x3] =	sbarrier.arrive $0xFFFF;
	s2 =	simm.s32 @!p0 $0x1C05  }
0x2a5: {  	[timem:s3], [sflag:s2] =	dma.local @!p0 [hbm:s0], s1  }
0x2a6: {  	s0 =	simm.s32 @!p0 $0x5  }
0x2a7: {  	_ =	swait.ge @!p0 [sflag:s0], s1  }
0x2a8: {  	s1 =	ssub.s32 @!p0 $0x0, s1;
	[sflag:s0] =	ssyncset.done @!p0 $0x0  }
0x2a9: {  	[sflag:s0] =	ssyncadd.s32 @!p0 s1  }
0x2aa: {  	[bflag:$0x3] =	sbarrier.arrive $0xFFFF  }
0x2ab: {  	_ =	shalt  }

</sc_bundles>
